<compile_context>
chip_gen: v7x
topology: tpu7x:2x2x1
jax: 0.10.2.dev20260603
libtpu: 0.0.44.dev20260713+nightly
codegen_flags: <defaults>
</compile_context>

<pallas_src>
import functools

import jax
import jax.numpy as jnp
from jax import lax
from jax.experimental import pallas as pl
from jax.experimental.pallas import tpu as pltpu
from jax.experimental.pallas import tpu_sc as plsc

_C = 5
_K = 4
_W = 256
_BT = 2048

_bf16 = jnp.bfloat16
_f32 = jnp.float32

_NC = 2
_NS = 16
_NW = _NC * _NS
_L = 16
_CH = 128


def _tc_body(ls_ref, u_ref, w0_ref, w1_ref, w0t_ref, w1t_ref,
             exph_ref, expht_ref, w_ref, vert_ref):
    w = w_ref[...] * ls_ref[0]

    u_all = u_ref[...]
    W0 = w0_ref[...]
    W1 = w1_ref[...]
    expH = exph_ref[...]
    expHT = expht_ref[...]
    W0T = w0t_ref[...]
    W1T = w1t_ref[...]

    for c in range(_C):
        ub = u_all[:, 3 * c:3 * c + 3].astype(_bf16)

        Z1 = jnp.dot(ub, W0, preferred_element_type=_f32)
        H1b = jnp.maximum(Z1, 0.0).astype(_bf16)
        Z2 = (jnp.dot(H1b, expH, preferred_element_type=_f32)
              + jnp.dot(ub, W1, preferred_element_type=_f32))

        Gb = jnp.where(Z2 > 0.0, w, 0.0).astype(_bf16)
        T = jnp.dot(Gb, expHT, preferred_element_type=_f32)
        Tb = jnp.where(Z1 > 0.0, T, 0.0).astype(_bf16)
        vert = (jnp.dot(Gb, W1T, preferred_element_type=_f32)
                + jnp.dot(Tb, W0T, preferred_element_type=_f32))
        vert_ref[c] = vert


def _tc_verts(u_flat, ls, W0_b, W1_b, W0T_b, W1T_b, expH_b,
              expHT_b, w_out):
    B = u_flat.shape[0]
    grid = (B // _BT,)
    return pl.pallas_call(
        _tc_body,
        grid=grid,
        in_specs=[
            pl.BlockSpec(memory_space=pltpu.SMEM),
            pl.BlockSpec((_BT, _C * 3), lambda i: (i, 0)),
            pl.BlockSpec((3, _W), lambda i: (0, 0)),
            pl.BlockSpec((3, _W), lambda i: (0, 0)),
            pl.BlockSpec((_W, 3), lambda i: (0, 0)),
            pl.BlockSpec((_W, 3), lambda i: (0, 0)),
            pl.BlockSpec((_W, _W), lambda i: (0, 0)),
            pl.BlockSpec((_W, _W), lambda i: (0, 0)),
            pl.BlockSpec((1, _W), lambda i: (0, 0)),
        ],
        out_specs=pl.BlockSpec((_C, _BT, 3), lambda i: (0, i, 0)),
        out_shape=jax.ShapeDtypeStruct((_C, B, 3), jnp.float32),
    )(ls, u_flat, W0_b, W1_b, W0T_b, W1T_b, expH_b, expHT_b, w_out)


def _sc_select(directions, verts_tab, B):
    rows_w = B // _NW
    groups = rows_w // _L
    mesh = plsc.VectorSubcoreMesh(core_axis_name="c", subcore_axis_name="s")

    @functools.partial(
        pl.kernel, mesh=mesh,
        out_type=jax.ShapeDtypeStruct((B * _K * 3,), _f32),
        compiler_params=pltpu.CompilerParams(needs_layout_passes=False),
        scratch_types=[pltpu.VMEM((rows_w * 3,), _f32)]
        + [pltpu.VMEM((rows_w * 3,), _f32) for _ in range(_C)]
        + [pltpu.VMEM((rows_w * _K * 3,), _f32),
           pltpu.SemaphoreType.DMA],
    )
    def sel(d_hbm, tab_hbm, out_hbm, d_v, vv0, vv1, vv2, vv3, vv4, o_v, sem):
        v_vs = (vv0, vv1, vv2, vv3, vv4)
        wid = lax.axis_index("s") * _NC + lax.axis_index("c")
        base = wid * rows_w
        copies = [pltpu.async_copy(
            d_hbm.at[pl.ds(base * 3, rows_w * 3)], d_v, sem)]
        for c in range(_C):
            copies.append(pltpu.async_copy(
                tab_hbm.at[pl.ds(c * B * 3 + base * 3, rows_w * 3)],
                v_vs[c], sem))
        for cp in copies:
            cp.wait()

        def group(g, carry):
            r3 = g * (_L * 3) + lax.iota(jnp.int32, _L) * 3
            dl = [plsc.load_gather(d_v, [r3 + j]) for j in range(3)]
            verts = []
            dots = []
            for c in range(_C):
                vl = [plsc.load_gather(v_vs[c], [r3 + j]) for j in range(3)]
                verts.append(vl)
                dots.append((dl[0] * vl[0] + dl[1] * vl[1]) + dl[2] * vl[2])
            r12 = g * (_L * 12) + lax.iota(jnp.int32, _L) * 12
            for c in range(_C):
                rank = jnp.zeros((_L,), jnp.int32)
                for c2 in range(_C):
                    if c2 == c:
                        continue
                    rank = rank + (dots[c2] > dots[c]).astype(jnp.int32)
                    if c2 < c:
                        rank = rank + (dots[c2] == dots[c]).astype(jnp.int32)
                keep = rank < _K
                slot = r12 + rank * 3
                for j in range(3):
                    plsc.store_scatter(o_v, [slot + j], verts[c][j],
                                       mask=keep)
            return carry

        lax.fori_loop(0, groups, group, 0, unroll=False)
        pltpu.sync_copy(o_v, out_hbm.at[pl.ds(base * 12, rows_w * 12)])

    return sel(directions, verts_tab)


@functools.partial(jax.jit, static_argnames=())
def kernel(directions, perturbations, W_in0, W_in1, W_hid0_log, w_out_log,
           length_scale):
    B = directions.shape[0]
    pert = jnp.concatenate(
        [jnp.zeros((1, 3), directions.dtype), perturbations], axis=0)
    cand = directions[:, None, :] + pert[None, :, :]
    u = cand / jnp.sqrt(jnp.sum(cand * cand, axis=-1, keepdims=True))
    u_flat = u.reshape(B, _C * 3)

    ls = jnp.reshape(length_scale, (1,)).astype(_f32)
    expH = jnp.exp(W_hid0_log)
    expH_b = expH.astype(_bf16)
    expHT_b = expH.T.astype(_bf16)
    W0_b = W_in0.astype(_bf16)
    W1_b = W_in1.astype(_bf16)
    W0T_b = W_in0.T.astype(_bf16)
    W1T_b = W_in1.T.astype(_bf16)
    w_out = jnp.reshape(jnp.exp(w_out_log), (1, _W))

    verts = _tc_verts(u_flat, ls, W0_b, W1_b, W0T_b, W1T_b, expH_b,
                      expHT_b, w_out)
    out = _sc_select(directions.reshape(B * 3), verts.reshape(_C * B * 3), B)
    return out.reshape(B, _K, 3)

# --- scband reference (transcript-rebuilt; emitter-appended) ---
"""Pipeline reference for scband-deep-support-convex-17592186045118 (READ-ONLY COPY).

The authoritative reference and input builder live on the scoring server;
editing this copy changes nothing except your own understanding.
"""

import jax, jax.numpy as jnp
import numpy as np

N_QUERY = 4
DEPTH = 2
WIDTH = 256
PERTURBATION = 0.4
BATCH = 16384


def setup_inputs(seed: int = 0) -> dict:
    key = jax.random.key(seed)
    ks = jax.random.split(key, 8)
    directions = jax.random.normal(ks[0], (BATCH, 3), dtype=jnp.float32)
    directions = directions / jnp.linalg.norm(directions, axis=-1, keepdims=True)
    # initial vertex set from init_kwargs: unit box corners -> length scale
    corners = jnp.array([[x, y, z] for x in (-0.5, 0.5) for y in (-0.5, 0.5)
                         for z in (-0.5, 0.5)], dtype=jnp.float32)
    length_scale = jnp.linalg.norm(corners.max(axis=0) - corners.min(axis=0)) / 2.0
    # perturbed support-direction offsets (n_query extra candidate directions)
    perturbations = PERTURBATION * jax.random.normal(ks[1], (N_QUERY, 3), dtype=jnp.float32)
    # HomogeneousICNN parameters: depth input weights, depth-1 nonneg hidden
    # weights (stored in log space), nonneg output weights (log space).
    W_in0 = jax.random.normal(ks[2], (3, WIDTH), dtype=jnp.float32) * jnp.sqrt(2.0 / 3.0)
    W_in1 = jax.random.normal(ks[3], (3, WIDTH), dtype=jnp.float32) * jnp.sqrt(2.0 / 3.0)
    W_hid0_log = jnp.log(jnp.abs(jax.random.normal(ks[4], (WIDTH, WIDTH), dtype=jnp.float32)) * jnp.sqrt(2.0 / WIDTH) + 1e-6)
    w_out_log = jnp.log(jnp.abs(jax.random.normal(ks[5], (WIDTH,), dtype=jnp.float32)) / jnp.sqrt(WIDTH) + 1e-6)
    return {"directions": directions, "perturbations": perturbations,
            "W_in0": W_in0, "W_in1": W_in1, "W_hid0_log": W_hid0_log,
            "w_out_log": w_out_log, "length_scale": length_scale}


def _icnn_value(d, W_in0, W_in1, W_hid0_log, w_out_log, length_scale):
    # Convex, positively homogeneous support function network.
    hidden = jax.nn.relu(d @ W_in0)
    hidden = jax.nn.relu(hidden @ jnp.exp(W_hid0_log) + d @ W_in1)
    return (hidden @ jnp.exp(w_out_log)) * length_scale


def _support_vertices(dirs_flat, W_in0, W_in1, W_hid0_log, w_out_log, length_scale):
    # Envelope theorem: support point = grad_d f(d) for support function f.
    def f(d):
        return jnp.sum(_icnn_value(d, W_in0, W_in1, W_hid0_log, w_out_log, length_scale))
    return jax.grad(f)(dirs_flat)


def reference(directions, perturbations, W_in0, W_in1, W_hid0_log, w_out_log, length_scale):
    B = directions.shape[0]
    # get_vertices: original direction plus perturbed copies, renormalized.
    pert = jnp.concatenate([jnp.zeros((1, 3), directions.dtype), perturbations], axis=0)  # (C, 3)
    cand = directions[:, None, :] + pert[None, :, :]  # (B, C, 3)
    cand = cand / jnp.linalg.norm(cand, axis=-1, keepdims=True)
    C = cand.shape[1]
    flat = cand.reshape(B * C, 3)
    verts = _support_vertices(flat, W_in0, W_in1, W_hid0_log, w_out_log,
                              length_scale).reshape(B, C, 3)
    # support_points: dots = d . v, top-k selection, gather selected vertices.
    dots = jnp.einsum('bd,bcd->bc', directions, verts)  # (B, C)
    _, idx = jax.lax.top_k(dots, N_QUERY)  # (B, n_query)
    top_vertices = jnp.take_along_axis(verts, idx[:, :, None], axis=1)  # (B, n_query, 3)
    return top_vertices

if __name__ == "__main__":
    import jax
    _d = setup_inputs()
    print(jax.jit(kernel)(*tuple(_d.values())))

</pallas_src>

<mosaic_0001>
#map = affine_map<(d0, d1) -> (0)>
module attributes {stable_mosaic.version = 14 : i64} {
  func.func @sel(%arg0: i32, %arg1: i32, %arg2: memref<49152xf32, #tpu.memory_space<hbm>>, %arg3: memref<245760xf32, #tpu.memory_space<hbm>>, %arg4: memref<196608xf32, #tpu.memory_space<hbm>>, %arg5: memref<1536xf32, #tpu.memory_space<vmem>>, %arg6: memref<1536xf32, #tpu.memory_space<vmem>>, %arg7: memref<1536xf32, #tpu.memory_space<vmem>>, %arg8: memref<1536xf32, #tpu.memory_space<vmem>>, %arg9: memref<1536xf32, #tpu.memory_space<vmem>>, %arg10: memref<1536xf32, #tpu.memory_space<vmem>>, %arg11: memref<6144xf32, #tpu.memory_space<vmem>>, %arg12: memref<!tpu.dma_semaphore, #tpu.memory_space<semaphore_mem>>) attributes {dimension_semantics = [#tpu.dimension_semantics<core_parallel>, #tpu.dimension_semantics<subcore_parallel>], iteration_bounds = array<i64: 2, 16>, scalar_prefetch = 0 : i64, scratch_operands = 8 : i64, tpu.core_type = #tpu.core_type<sc_vector_subcore>, window_params = [{transform_indices = #map}, {transform_indices = #map}, {transform_indices = #map}]} {
    %mul3A = arith.constant 2 : i32
    %mul3A_0 = arith.muli %arg1, %mul3A : i32
    %add3A = arith.addi %mul3A_0, %arg0 : i32
    %mul3A_1 = arith.constant 512 : i32
    %mul3A_2 = arith.muli %add3A, %mul3A_1 : i32
    %mul3A_3 = arith.constant 3 : i32
    %mul3A_4 = arith.muli %mul3A_2, %mul3A_3 : i32
    %dma_start3A = tpu.memref_slice %arg2[%mul3A_4] : memref<49152xf32, #tpu.memory_space<hbm>> -> memref<1536xf32, #tpu.memory_space<hbm>>
    %dma_start3A_5 = tpu.memref_slice %arg2[%mul3A_4] : memref<49152xf32, #tpu.memory_space<hbm>> -> memref<1536xf32, #tpu.memory_space<hbm>>
    tpu.enqueue_dma source(%dma_start3A_5 : memref<1536xf32, #tpu.memory_space<hbm>>) target(%arg5 : memref<1536xf32, #tpu.memory_space<vmem>>) target_semaphore(%arg12 : memref<!tpu.dma_semaphore, #tpu.memory_space<semaphore_mem>>)
    %mul3A_6 = arith.constant 3 : i32
    %mul3A_7 = arith.muli %mul3A_2, %mul3A_6 : i32
    %add3A_8 = arith.constant 0 : i32
    %add3A_9 = arith.addi %add3A_8, %mul3A_7 : i32
    %dma_start3A_10 = tpu.memref_slice %arg3[%add3A_9] : memref<245760xf32, #tpu.memory_space<hbm>> -> memref<1536xf32, #tpu.memory_space<hbm>>
    %dma_start3A_11 = tpu.memref_slice %arg3[%add3A_9] : memref<245760xf32, #tpu.memory_space<hbm>> -> memref<1536xf32, #tpu.memory_space<hbm>>
    tpu.enqueue_dma source(%dma_start3A_11 : memref<1536xf32, #tpu.memory_space<hbm>>) target(%arg6 : memref<1536xf32, #tpu.memory_space<vmem>>) target_semaphore(%arg12 : memref<!tpu.dma_semaphore, #tpu.memory_space<semaphore_mem>>)
    %mul3A_12 = arith.constant 3 : i32
    %mul3A_13 = arith.muli %mul3A_2, %mul3A_12 : i32
    %add3A_14 = arith.constant 49152 : i32
    %add3A_15 = arith.addi %add3A_14, %mul3A_13 : i32
    %dma_start3A_16 = tpu.memref_slice %arg3[%add3A_15] : memref<245760xf32, #tpu.memory_space<hbm>> -> memref<1536xf32, #tpu.memory_space<hbm>>
    %dma_start3A_17 = tpu.memref_slice %arg3[%add3A_15] : memref<245760xf32, #tpu.memory_space<hbm>> -> memref<1536xf32, #tpu.memory_space<hbm>>
    tpu.enqueue_dma source(%dma_start3A_17 : memref<1536xf32, #tpu.memory_space<hbm>>) target(%arg7 : memref<1536xf32, #tpu.memory_space<vmem>>) target_semaphore(%arg12 : memref<!tpu.dma_semaphore, #tpu.memory_space<semaphore_mem>>)
    %mul3A_18 = arith.constant 3 : i32
    %mul3A_19 = arith.muli %mul3A_2, %mul3A_18 : i32
    %add3A_20 = arith.constant 98304 : i32
    %add3A_21 = arith.addi %add3A_20, %mul3A_19 : i32
    %dma_start3A_22 = tpu.memref_slice %arg3[%add3A_21] : memref<245760xf32, #tpu.memory_space<hbm>> -> memref<1536xf32, #tpu.memory_space<hbm>>
    %dma_start3A_23 = tpu.memref_slice %arg3[%add3A_21] : memref<245760xf32, #tpu.memory_space<hbm>> -> memref<1536xf32, #tpu.memory_space<hbm>>
    tpu.enqueue_dma source(%dma_start3A_23 : memref<1536xf32, #tpu.memory_space<hbm>>) target(%arg8 : memref<1536xf32, #tpu.memory_space<vmem>>) target_semaphore(%arg12 : memref<!tpu.dma_semaphore, #tpu.memory_space<semaphore_mem>>)
    %mul3A_24 = arith.constant 3 : i32
    %mul3A_25 = arith.muli %mul3A_2, %mul3A_24 : i32
    %add3A_26 = arith.constant 147456 : i32
    %add3A_27 = arith.addi %add3A_26, %mul3A_25 : i32
    %dma_start3A_28 = tpu.memref_slice %arg3[%add3A_27] : memref<245760xf32, #tpu.memory_space<hbm>> -> memref<1536xf32, #tpu.memory_space<hbm>>
    %dma_start3A_29 = tpu.memref_slice %arg3[%add3A_27] : memref<245760xf32, #tpu.memory_space<hbm>> -> memref<1536xf32, #tpu.memory_space<hbm>>
    tpu.enqueue_dma source(%dma_start3A_29 : memref<1536xf32, #tpu.memory_space<hbm>>) target(%arg9 : memref<1536xf32, #tpu.memory_space<vmem>>) target_semaphore(%arg12 : memref<!tpu.dma_semaphore, #tpu.memory_space<semaphore_mem>>)
    %mul3A_30 = arith.constant 3 : i32
    %mul3A_31 = arith.muli %mul3A_2, %mul3A_30 : i32
    %add3A_32 = arith.constant 196608 : i32
    %add3A_33 = arith.addi %add3A_32, %mul3A_31 : i32
    %dma_start3A_34 = tpu.memref_slice %arg3[%add3A_33] : memref<245760xf32, #tpu.memory_space<hbm>> -> memref<1536xf32, #tpu.memory_space<hbm>>
    %dma_start3A_35 = tpu.memref_slice %arg3[%add3A_33] : memref<245760xf32, #tpu.memory_space<hbm>> -> memref<1536xf32, #tpu.memory_space<hbm>>
    tpu.enqueue_dma source(%dma_start3A_35 : memref<1536xf32, #tpu.memory_space<hbm>>) target(%arg10 : memref<1536xf32, #tpu.memory_space<vmem>>) target_semaphore(%arg12 : memref<!tpu.dma_semaphore, #tpu.memory_space<semaphore_mem>>)
    %dma_wait3A = tpu.memref_slice %arg2[%mul3A_4] : memref<49152xf32, #tpu.memory_space<hbm>> -> memref<1536xf32, #tpu.memory_space<hbm>>
    %dma_wait3A_36 = tpu.memref_slice %arg2[%mul3A_4] : memref<49152xf32, #tpu.memory_space<hbm>> -> memref<1536xf32, #tpu.memory_space<hbm>>
    tpu.wait_dma2 semaphore(%arg12 : memref<!tpu.dma_semaphore, #tpu.memory_space<semaphore_mem>>) src(%dma_wait3A_36 : memref<1536xf32, #tpu.memory_space<hbm>>) dst(%arg5 : memref<1536xf32, #tpu.memory_space<vmem>>)
    %dma_wait3A_37 = tpu.memref_slice %arg3[%add3A_9] : memref<245760xf32, #tpu.memory_space<hbm>> -> memref<1536xf32, #tpu.memory_space<hbm>>
    %dma_wait3A_38 = tpu.memref_slice %arg3[%add3A_9] : memref<245760xf32, #tpu.memory_space<hbm>> -> memref<1536xf32, #tpu.memory_space<hbm>>
    tpu.wait_dma2 semaphore(%arg12 : memref<!tpu.dma_semaphore, #tpu.memory_space<semaphore_mem>>) src(%dma_wait3A_38 : memref<1536xf32, #tpu.memory_space<hbm>>) dst(%arg6 : memref<1536xf32, #tpu.memory_space<vmem>>)
    %dma_wait3A_39 = tpu.memref_slice %arg3[%add3A_15] : memref<245760xf32, #tpu.memory_space<hbm>> -> memref<1536xf32, #tpu.memory_space<hbm>>
    %dma_wait3A_40 = tpu.memref_slice %arg3[%add3A_15] : memref<245760xf32, #tpu.memory_space<hbm>> -> memref<1536xf32, #tpu.memory_space<hbm>>
    tpu.wait_dma2 semaphore(%arg12 : memref<!tpu.dma_semaphore, #tpu.memory_space<semaphore_mem>>) src(%dma_wait3A_40 : memref<1536xf32, #tpu.memory_space<hbm>>) dst(%arg7 : memref<1536xf32, #tpu.memory_space<vmem>>)
    %dma_wait3A_41 = tpu.memref_slice %arg3[%add3A_21] : memref<245760xf32, #tpu.memory_space<hbm>> -> memref<1536xf32, #tpu.memory_space<hbm>>
    %dma_wait3A_42 = tpu.memref_slice %arg3[%add3A_21] : memref<245760xf32, #tpu.memory_space<hbm>> -> memref<1536xf32, #tpu.memory_space<hbm>>
    tpu.wait_dma2 semaphore(%arg12 : memref<!tpu.dma_semaphore, #tpu.memory_space<semaphore_mem>>) src(%dma_wait3A_42 : memref<1536xf32, #tpu.memory_space<hbm>>) dst(%arg8 : memref<1536xf32, #tpu.memory_space<vmem>>)
    %dma_wait3A_43 = tpu.memref_slice %arg3[%add3A_27] : memref<245760xf32, #tpu.memory_space<hbm>> -> memref<1536xf32, #tpu.memory_space<hbm>>
    %dma_wait3A_44 = tpu.memref_slice %arg3[%add3A_27] : memref<245760xf32, #tpu.memory_space<hbm>> -> memref<1536xf32, #tpu.memory_space<hbm>>
    tpu.wait_dma2 semaphore(%arg12 : memref<!tpu.dma_semaphore, #tpu.memory_space<semaphore_mem>>) src(%dma_wait3A_44 : memref<1536xf32, #tpu.memory_space<hbm>>) dst(%arg9 : memref<1536xf32, #tpu.memory_space<vmem>>)
    %dma_wait3A_45 = tpu.memref_slice %arg3[%add3A_33] : memref<245760xf32, #tpu.memory_space<hbm>> -> memref<1536xf32, #tpu.memory_space<hbm>>
    %dma_wait3A_46 = tpu.memref_slice %arg3[%add3A_33] : memref<245760xf32, #tpu.memory_space<hbm>> -> memref<1536xf32, #tpu.memory_space<hbm>>
    tpu.wait_dma2 semaphore(%arg12 : memref<!tpu.dma_semaphore, #tpu.memory_space<semaphore_mem>>) src(%dma_wait3A_46 : memref<1536xf32, #tpu.memory_space<hbm>>) dst(%arg10 : memref<1536xf32, #tpu.memory_space<vmem>>)
    %scan3A = arith.constant 0 : i32
    %scan3A_47 = arith.constant 0 : i32
    %scan3A_48 = arith.constant 32 : i32
    %scan3A_49 = arith.addi %scan3A_47, %scan3A_48 : i32
    %scan3A_50 = arith.constant 1 : i32
    scf.for %scan3A_54 = %scan3A_47 to %scan3A_49 step %scan3A_50  : i32 {
      %mul3A_55 = arith.constant 48 : i32
      %mul3A_56 = arith.muli %scan3A_54, %mul3A_55 : i32
      %iota3A = tpu.iota {dimensions = array<i32: 0>} : vector<16xi32>
      %mul3A_57 = arith.constant 3 : i32
      %mul3A_58 = vector.broadcast %mul3A_57 : i32 to vector<16xi32>
      %mul3A_59 = arith.muli %iota3A, %mul3A_58 : vector<16xi32>
      %add3A_60 = vector.broadcast %mul3A_56 : i32 to vector<16xi32>
      %add3A_61 = arith.addi %add3A_60, %mul3A_59 : vector<16xi32>
      %add3A_62 = arith.constant 0 : i32
      %add3A_63 = vector.broadcast %add3A_62 : i32 to vector<16xi32>
      %add3A_64 = arith.addi %add3A_61, %add3A_63 : vector<16xi32>
      %gather3A = tpu.vector_load_idx %arg5[%add3A_64] : memref<1536xf32, #tpu.memory_space<vmem>>[vector<16xi32>], vector<16xf32>,
      %add3A_65 = arith.constant 1 : i32
      %add3A_66 = vector.broadcast %add3A_65 : i32 to vector<16xi32>
      %add3A_67 = arith.addi %add3A_61, %add3A_66 : vector<16xi32>
      %gather3A_68 = tpu.vector_load_idx %arg5[%add3A_67] : memref<1536xf32, #tpu.memory_space<vmem>>[vector<16xi32>], vector<16xf32>,
      %add3A_69 = arith.constant 2 : i32
      %add3A_70 = vector.broadcast %add3A_69 : i32 to vector<16xi32>
      %add3A_71 = arith.addi %add3A_61, %add3A_70 : vector<16xi32>
      %gather3A_72 = tpu.vector_load_idx %arg5[%add3A_71] : memref<1536xf32, #tpu.memory_space<vmem>>[vector<16xi32>], vector<16xf32>,
      %add3A_73 = arith.constant 0 : i32
      %add3A_74 = vector.broadcast %add3A_73 : i32 to vector<16xi32>
      %add3A_75 = arith.addi %add3A_61, %add3A_74 : vector<16xi32>
      %gather3A_76 = tpu.vector_load_idx %arg6[%add3A_75] : memref<1536xf32, #tpu.memory_space<vmem>>[vector<16xi32>], vector<16xf32>,
      %add3A_77 = arith.constant 1 : i32
      %add3A_78 = vector.broadcast %add3A_77 : i32 to vector<16xi32>
      %add3A_79 = arith.addi %add3A_61, %add3A_78 : vector<16xi32>
      %gather3A_80 = tpu.vector_load_idx %arg6[%add3A_79] : memref<1536xf32, #tpu.memory_space<vmem>>[vector<16xi32>], vector<16xf32>,
      %add3A_81 = arith.constant 2 : i32
      %add3A_82 = vector.broadcast %add3A_81 : i32 to vector<16xi32>
      %add3A_83 = arith.addi %add3A_61, %add3A_82 : vector<16xi32>
      %gather3A_84 = tpu.vector_load_idx %arg6[%add3A_83] : memref<1536xf32, #tpu.memory_space<vmem>>[vector<16xi32>], vector<16xf32>,
      %mul3A_85 = arith.mulf %gather3A, %gather3A_76 : vector<16xf32>
      %mul3A_86 = arith.mulf %gather3A_68, %gather3A_80 : vector<16xf32>
      %add3A_87 = arith.addf %mul3A_85, %mul3A_86 : vector<16xf32>
      %mul3A_88 = arith.mulf %gather3A_72, %gather3A_84 : vector<16xf32>
      %add3A_89 = arith.addf %add3A_87, %mul3A_88 : vector<16xf32>
      %add3A_90 = arith.constant 0 : i32
      %add3A_91 = vector.broadcast %add3A_90 : i32 to vector<16xi32>
      %add3A_92 = arith.addi %add3A_61, %add3A_91 : vector<16xi32>
      %gather3A_93 = tpu.vector_load_idx %arg7[%add3A_92] : memref<1536xf32, #tpu.memory_space<vmem>>[vector<16xi32>], vector<16xf32>,
      %add3A_94 = arith.constant 1 : i32
      %add3A_95 = vector.broadcast %add3A_94 : i32 to vector<16xi32>
      %add3A_96 = arith.addi %add3A_61, %add3A_95 : vector<16xi32>
      %gather3A_97 = tpu.vector_load_idx %arg7[%add3A_96] : memref<1536xf32, #tpu.memory_space<vmem>>[vector<16xi32>], vector<16xf32>,
      %add3A_98 = arith.constant 2 : i32
      %add3A_99 = vector.broadcast %add3A_98 : i32 to vector<16xi32>
      %add3A_100 = arith.addi %add3A_61, %add3A_99 : vector<16xi32>
      %gather3A_101 = tpu.vector_load_idx %arg7[%add3A_100] : memref<1536xf32, #tpu.memory_space<vmem>>[vector<16xi32>], vector<16xf32>,
      %mul3A_102 = arith.mulf %gather3A, %gather3A_93 : vector<16xf32>
      %mul3A_103 = arith.mulf %gather3A_68, %gather3A_97 : vector<16xf32>
      %add3A_104 = arith.addf %mul3A_102, %mul3A_103 : vector<16xf32>
      %mul3A_105 = arith.mulf %gather3A_72, %gather3A_101 : vector<16xf32>
      %add3A_106 = arith.addf %add3A_104, %mul3A_105 : vector<16xf32>
      %add3A_107 = arith.constant 0 : i32
      %add3A_108 = vector.broadcast %add3A_107 : i32 to vector<16xi32>
      %add3A_109 = arith.addi %add3A_61, %add3A_108 : vector<16xi32>
      %gather3A_110 = tpu.vector_load_idx %arg8[%add3A_109] : memref<1536xf32, #tpu.memory_space<vmem>>[vector<16xi32>], vector<16xf32>,
      %add3A_111 = arith.constant 1 : i32
      %add3A_112 = vector.broadcast %add3A_111 : i32 to vector<16xi32>
      %add3A_113 = arith.addi %add3A_61, %add3A_112 : vector<16xi32>
      %gather3A_114 = tpu.vector_load_idx %arg8[%add3A_113] : memref<1536xf32, #tpu.memory_space<vmem>>[vector<16xi32>], vector<16xf32>,
      %add3A_115 = arith.constant 2 : i32
      %add3A_116 = vector.broadcast %add3A_115 : i32 to vector<16xi32>
      %add3A_117 = arith.addi %add3A_61, %add3A_116 : vector<16xi32>
      %gather3A_118 = tpu.vector_load_idx %arg8[%add3A_117] : memref<1536xf32, #tpu.memory_space<vmem>>[vector<16xi32>], vector<16xf32>,
      %mul3A_119 = arith.mulf %gather3A, %gather3A_110 : vector<16xf32>
      %mul3A_120 = arith.mulf %gather3A_68, %gather3A_114 : vector<16xf32>
      %add3A_121 = arith.addf %mul3A_119, %mul3A_120 : vector<16xf32>
      %mul3A_122 = arith.mulf %gather3A_72, %gather3A_118 : vector<16xf32>
      %add3A_123 = arith.addf %add3A_121, %mul3A_122 : vector<16xf32>
      %add3A_124 = arith.constant 0 : i32
      %add3A_125 = vector.broadcast %add3A_124 : i32 to vector<16xi32>
      %add3A_126 = arith.addi %add3A_61, %add3A_125 : vector<16xi32>
      %gather3A_127 = tpu.vector_load_idx %arg9[%add3A_126] : memref<1536xf32, #tpu.memory_space<vmem>>[vector<16xi32>], vector<16xf32>,
      %add3A_128 = arith.constant 1 : i32
      %add3A_129 = vector.broadcast %add3A_128 : i32 to vector<16xi32>
      %add3A_130 = arith.addi %add3A_61, %add3A_129 : vector<16xi32>
      %gather3A_131 = tpu.vector_load_idx %arg9[%add3A_130] : memref<1536xf32, #tpu.memory_space<vmem>>[vector<16xi32>], vector<16xf32>,
      %add3A_132 = arith.constant 2 : i32
      %add3A_133 = vector.broadcast %add3A_132 : i32 to vector<16xi32>
      %add3A_134 = arith.addi %add3A_61, %add3A_133 : vector<16xi32>
      %gather3A_135 = tpu.vector_load_idx %arg9[%add3A_134] : memref<1536xf32, #tpu.memory_space<vmem>>[vector<16xi32>], vector<16xf32>,
      %mul3A_136 = arith.mulf %gather3A, %gather3A_127 : vector<16xf32>
      %mul3A_137 = arith.mulf %gather3A_68, %gather3A_131 : vector<16xf32>
      %add3A_138 = arith.addf %mul3A_136, %mul3A_137 : vector<16xf32>
      %mul3A_139 = arith.mulf %gather3A_72, %gather3A_135 : vector<16xf32>
      %add3A_140 = arith.addf %add3A_138, %mul3A_139 : vector<16xf32>
      %add3A_141 = arith.constant 0 : i32
      %add3A_142 = vector.broadcast %add3A_141 : i32 to vector<16xi32>
      %add3A_143 = arith.addi %add3A_61, %add3A_142 : vector<16xi32>
      %gather3A_144 = tpu.vector_load_idx %arg10[%add3A_143] : memref<1536xf32, #tpu.memory_space<vmem>>[vector<16xi32>], vector<16xf32>,
      %add3A_145 = arith.constant 1 : i32
      %add3A_146 = vector.broadcast %add3A_145 : i32 to vector<16xi32>
      %add3A_147 = arith.addi %add3A_61, %add3A_146 : vector<16xi32>
      %gather3A_148 = tpu.vector_load_idx %arg10[%add3A_147] : memref<1536xf32, #tpu.memory_space<vmem>>[vector<16xi32>], vector<16xf32>,
      %add3A_149 = arith.constant 2 : i32
      %add3A_150 = vector.broadcast %add3A_149 : i32 to vector<16xi32>
      %add3A_151 = arith.addi %add3A_61, %add3A_150 : vector<16xi32>
      %gather3A_152 = tpu.vector_load_idx %arg10[%add3A_151] : memref<1536xf32, #tpu.memory_space<vmem>>[vector<16xi32>], vector<16xf32>,
      %mul3A_153 = arith.mulf %gather3A, %gather3A_144 : vector<16xf32>
      %mul3A_154 = arith.mulf %gather3A_68, %gather3A_148 : vector<16xf32>
      %add3A_155 = arith.addf %mul3A_153, %mul3A_154 : vector<16xf32>
      %mul3A_156 = arith.mulf %gather3A_72, %gather3A_152 : vector<16xf32>
      %add3A_157 = arith.addf %add3A_155, %mul3A_156 : vector<16xf32>
      %mul3A_158 = arith.constant 192 : i32
      %mul3A_159 = arith.muli %scan3A_54, %mul3A_158 : i32
      %iota3A_160 = tpu.iota {dimensions = array<i32: 0>} : vector<16xi32>
      %mul3A_161 = arith.constant 12 : i32
      %mul3A_162 = vector.broadcast %mul3A_161 : i32 to vector<16xi32>
      %mul3A_163 = arith.muli %iota3A_160, %mul3A_162 : vector<16xi32>
      %add3A_164 = vector.broadcast %mul3A_159 : i32 to vector<16xi32>
      %add3A_165 = arith.addi %add3A_164, %mul3A_163 : vector<16xi32>
      %broadcast_in_dim3A = arith.constant 0 : i32
      %broadcast_in_dim3A_166 = vector.broadcast %broadcast_in_dim3A : i32 to vector<16xi32>
      %gt3A = arith.cmpf ogt, %add3A_106, %add3A_89 : vector<16xf32>
      %convert_element_type3A = arith.extui %gt3A : vector<16xi1> to vector<16xi32>
      %add3A_167 = arith.addi %broadcast_in_dim3A_166, %convert_element_type3A : vector<16xi32>
      %gt3A_168 = arith.cmpf ogt, %add3A_123, %add3A_89 : vector<16xf32>
      %convert_element_type3A_169 = arith.extui %gt3A_168 : vector<16xi1> to vector<16xi32>
      %add3A_170 = arith.addi %add3A_167, %convert_element_type3A_169 : vector<16xi32>
      %gt3A_171 = arith.cmpf ogt, %add3A_140, %add3A_89 : vector<16xf32>
      %convert_element_type3A_172 = arith.extui %gt3A_171 : vector<16xi1> to vector<16xi32>
      %add3A_173 = arith.addi %add3A_170, %convert_element_type3A_172 : vector<16xi32>
      %gt3A_174 = arith.cmpf ogt, %add3A_157, %add3A_89 : vector<16xf32>
      %convert_element_type3A_175 = arith.extui %gt3A_174 : vector<16xi1> to vector<16xi32>
      %add3A_176 = arith.addi %add3A_173, %convert_element_type3A_175 : vector<16xi32>
      %lt3A = arith.constant 4 : i32
      %lt3A_177 = vector.broadcast %lt3A : i32 to vector<16xi32>
      %lt3A_178 = arith.cmpi slt, %add3A_176, %lt3A_177 : vector<16xi32>
      %mul3A_179 = arith.constant 3 : i32
      %mul3A_180 = vector.broadcast %mul3A_179 : i32 to vector<16xi32>
      %mul3A_181 = arith.muli %add3A_176, %mul3A_180 : vector<16xi32>
      %add3A_182 = arith.addi %add3A_165, %mul3A_181 : vector<16xi32>
      %add3A_183 = arith.constant 0 : i32
      %add3A_184 = vector.broadcast %add3A_183 : i32 to vector<16xi32>
      %add3A_185 = arith.addi %add3A_182, %add3A_184 : vector<16xi32>
      tpu.vector_store_idx %arg11[%add3A_185], %gather3A_76 masked %lt3A_178 : memref<6144xf32, #tpu.memory_space<vmem>>[vector<16xi32>], vector<16xf32>, vector<16xi1>
      %add3A_186 = arith.constant 1 : i32
      %add3A_187 = vector.broadcast %add3A_186 : i32 to vector<16xi32>
      %add3A_188 = arith.addi %add3A_182, %add3A_187 : vector<16xi32>
      tpu.vector_store_idx %arg11[%add3A_188], %gather3A_80 masked %lt3A_178 : memref<6144xf32, #tpu.memory_space<vmem>>[vector<16xi32>], vector<16xf32>, vector<16xi1>
      %add3A_189 = arith.constant 2 : i32
      %add3A_190 = vector.broadcast %add3A_189 : i32 to vector<16xi32>
      %add3A_191 = arith.addi %add3A_182, %add3A_190 : vector<16xi32>
      tpu.vector_store_idx %arg11[%add3A_191], %gather3A_84 masked %lt3A_178 : memref<6144xf32, #tpu.memory_space<vmem>>[vector<16xi32>], vector<16xf32>, vector<16xi1>
      %broadcast_in_dim3A_192 = arith.constant 0 : i32
      %broadcast_in_dim3A_193 = vector.broadcast %broadcast_in_dim3A_192 : i32 to vector<16xi32>
      %gt3A_194 = arith.cmpf ogt, %add3A_89, %add3A_106 : vector<16xf32>
      %convert_element_type3A_195 = arith.extui %gt3A_194 : vector<16xi1> to vector<16xi32>
      %add3A_196 = arith.addi %broadcast_in_dim3A_193, %convert_element_type3A_195 : vector<16xi32>
      %eq3A = arith.cmpf oeq, %add3A_89, %add3A_106 : vector<16xf32>
      %convert_element_type3A_197 = arith.extui %eq3A : vector<16xi1> to vector<16xi32>
      %add3A_198 = arith.addi %add3A_196, %convert_element_type3A_197 : vector<16xi32>
      %gt3A_199 = arith.cmpf ogt, %add3A_123, %add3A_106 : vector<16xf32>
      %convert_element_type3A_200 = arith.extui %gt3A_199 : vector<16xi1> to vector<16xi32>
      %add3A_201 = arith.addi %add3A_198, %convert_element_type3A_200 : vector<16xi32>
      %gt3A_202 = arith.cmpf ogt, %add3A_140, %add3A_106 : vector<16xf32>
      %convert_element_type3A_203 = arith.extui %gt3A_202 : vector<16xi1> to vector<16xi32>
      %add3A_204 = arith.addi %add3A_201, %convert_element_type3A_203 : vector<16xi32>
      %gt3A_205 = arith.cmpf ogt, %add3A_157, %add3A_106 : vector<16xf32>
      %convert_element_type3A_206 = arith.extui %gt3A_205 : vector<16xi1> to vector<16xi32>
      %add3A_207 = arith.addi %add3A_204, %convert_element_type3A_206 : vector<16xi32>
      %lt3A_208 = arith.constant 4 : i32
      %lt3A_209 = vector.broadcast %lt3A_208 : i32 to vector<16xi32>
      %lt3A_210 = arith.cmpi slt, %add3A_207, %lt3A_209 : vector<16xi32>
      %mul3A_211 = arith.constant 3 : i32
      %mul3A_212 = vector.broadcast %mul3A_211 : i32 to vector<16xi32>
      %mul3A_213 = arith.muli %add3A_207, %mul3A_212 : vector<16xi32>
      %add3A_214 = arith.addi %add3A_165, %mul3A_213 : vector<16xi32>
      %add3A_215 = arith.constant 0 : i32
      %add3A_216 = vector.broadcast %add3A_215 : i32 to vector<16xi32>
      %add3A_217 = arith.addi %add3A_214, %add3A_216 : vector<16xi32>
      tpu.vector_store_idx %arg11[%add3A_217], %gather3A_93 masked %lt3A_210 : memref<6144xf32, #tpu.memory_space<vmem>>[vector<16xi32>], vector<16xf32>, vector<16xi1>
      %add3A_218 = arith.constant 1 : i32
      %add3A_219 = vector.broadcast %add3A_218 : i32 to vector<16xi32>
      %add3A_220 = arith.addi %add3A_214, %add3A_219 : vector<16xi32>
      tpu.vector_store_idx %arg11[%add3A_220], %gather3A_97 masked %lt3A_210 : memref<6144xf32, #tpu.memory_space<vmem>>[vector<16xi32>], vector<16xf32>, vector<16xi1>
      %add3A_221 = arith.constant 2 : i32
      %add3A_222 = vector.broadcast %add3A_221 : i32 to vector<16xi32>
      %add3A_223 = arith.addi %add3A_214, %add3A_222 : vector<16xi32>
      tpu.vector_store_idx %arg11[%add3A_223], %gather3A_101 masked %lt3A_210 : memref<6144xf32, #tpu.memory_space<vmem>>[vector<16xi32>], vector<16xf32>, vector<16xi1>
      %broadcast_in_dim3A_224 = arith.constant 0 : i32
      %broadcast_in_dim3A_225 = vector.broadcast %broadcast_in_dim3A_224 : i32 to vector<16xi32>
      %gt3A_226 = arith.cmpf ogt, %add3A_89, %add3A_123 : vector<16xf32>
      %convert_element_type3A_227 = arith.extui %gt3A_226 : vector<16xi1> to vector<16xi32>
      %add3A_228 = arith.addi %broadcast_in_dim3A_225, %convert_element_type3A_227 : vector<16xi32>
      %eq3A_229 = arith.cmpf oeq, %add3A_89, %add3A_123 : vector<16xf32>
      %convert_element_type3A_230 = arith.extui %eq3A_229 : vector<16xi1> to vector<16xi32>
      %add3A_231 = arith.addi %add3A_228, %convert_element_type3A_230 : vector<16xi32>
      %gt3A_232 = arith.cmpf ogt, %add3A_106, %add3A_123 : vector<16xf32>
      %convert_element_type3A_233 = arith.extui %gt3A_232 : vector<16xi1> to vector<16xi32>
      %add3A_234 = arith.addi %add3A_231, %convert_element_type3A_233 : vector<16xi32>
      %eq3A_235 = arith.cmpf oeq, %add3A_106, %add3A_123 : vector<16xf32>
      %convert_element_type3A_236 = arith.extui %eq3A_235 : vector<16xi1> to vector<16xi32>
      %add3A_237 = arith.addi %add3A_234, %convert_element_type3A_236 : vector<16xi32>
      %gt3A_238 = arith.cmpf ogt, %add3A_140, %add3A_123 : vector<16xf32>
      %convert_element_type3A_239 = arith.extui %gt3A_238 : vector<16xi1> to vector<16xi32>
      %add3A_240 = arith.addi %add3A_237, %convert_element_type3A_239 : vector<16xi32>
      %gt3A_241 = arith.cmpf ogt, %add3A_157, %add3A_123 : vector<16xf32>
      %convert_element_type3A_242 = arith.extui %gt3A_241 : vector<16xi1> to vector<16xi32>
      %add3A_243 = arith.addi %add3A_240, %convert_element_type3A_242 : vector<16xi32>
      %lt3A_244 = arith.constant 4 : i32
      %lt3A_245 = vector.broadcast %lt3A_244 : i32 to vector<16xi32>
      %lt3A_246 = arith.cmpi slt, %add3A_243, %lt3A_245 : vector<16xi32>
      %mul3A_247 = arith.constant 3 : i32
      %mul3A_248 = vector.broadcast %mul3A_247 : i32 to vector<16xi32>
      %mul3A_249 = arith.muli %add3A_243, %mul3A_248 : vector<16xi32>
      %add3A_250 = arith.addi %add3A_165, %mul3A_249 : vector<16xi32>
      %add3A_251 = arith.constant 0 : i32
      %add3A_252 = vector.broadcast %add3A_251 : i32 to vector<16xi32>
      %add3A_253 = arith.addi %add3A_250, %add3A_252 : vector<16xi32>
      tpu.vector_store_idx %arg11[%add3A_253], %gather3A_110 masked %lt3A_246 : memref<6144xf32, #tpu.memory_space<vmem>>[vector<16xi32>], vector<16xf32>, vector<16xi1>
      %add3A_254 = arith.constant 1 : i32
      %add3A_255 = vector.broadcast %add3A_254 : i32 to vector<16xi32>
      %add3A_256 = arith.addi %add3A_250, %add3A_255 : vector<16xi32>
      tpu.vector_store_idx %arg11[%add3A_256], %gather3A_114 masked %lt3A_246 : memref<6144xf32, #tpu.memory_space<vmem>>[vector<16xi32>], vector<16xf32>, vector<16xi1>
      %add3A_257 = arith.constant 2 : i32
      %add3A_258 = vector.broadcast %add3A_257 : i32 to vector<16xi32>
      %add3A_259 = arith.addi %add3A_250, %add3A_258 : vector<16xi32>
      tpu.vector_store_idx %arg11[%add3A_259], %gather3A_118 masked %lt3A_246 : memref<6144xf32, #tpu.memory_space<vmem>>[vector<16xi32>], vector<16xf32>, vector<16xi1>
      %broadcast_in_dim3A_260 = arith.constant 0 : i32
      %broadcast_in_dim3A_261 = vector.broadcast %broadcast_in_dim3A_260 : i32 to vector<16xi32>
      %gt3A_262 = arith.cmpf ogt, %add3A_89, %add3A_140 : vector<16xf32>
      %convert_element_type3A_263 = arith.extui %gt3A_262 : vector<16xi1> to vector<16xi32>
      %add3A_264 = arith.addi %broadcast_in_dim3A_261, %convert_element_type3A_263 : vector<16xi32>
      %eq3A_265 = arith.cmpf oeq, %add3A_89, %add3A_140 : vector<16xf32>
      %convert_element_type3A_266 = arith.extui %eq3A_265 : vector<16xi1> to vector<16xi32>
      %add3A_267 = arith.addi %add3A_264, %convert_element_type3A_266 : vector<16xi32>
      %gt3A_268 = arith.cmpf ogt, %add3A_106, %add3A_140 : vector<16xf32>
      %convert_element_type3A_269 = arith.extui %gt3A_268 : vector<16xi1> to vector<16xi32>
      %add3A_270 = arith.addi %add3A_267, %convert_element_type3A_269 : vector<16xi32>
      %eq3A_271 = arith.cmpf oeq, %add3A_106, %add3A_140 : vector<16xf32>
      %convert_element_type3A_272 = arith.extui %eq3A_271 : vector<16xi1> to vector<16xi32>
      %add3A_273 = arith.addi %add3A_270, %convert_element_type3A_272 : vector<16xi32>
      %gt3A_274 = arith.cmpf ogt, %add3A_123, %add3A_140 : vector<16xf32>
      %convert_element_type3A_275 = arith.extui %gt3A_274 : vector<16xi1> to vector<16xi32>
      %add3A_276 = arith.addi %add3A_273, %convert_element_type3A_275 : vector<16xi32>
      %eq3A_277 = arith.cmpf oeq, %add3A_123, %add3A_140 : vector<16xf32>
      %convert_element_type3A_278 = arith.extui %eq3A_277 : vector<16xi1> to vector<16xi32>
      %add3A_279 = arith.addi %add3A_276, %convert_element_type3A_278 : vector<16xi32>
      %gt3A_280 = arith.cmpf ogt, %add3A_157, %add3A_140 : vector<16xf32>
      %convert_element_type3A_281 = arith.extui %gt3A_280 : vector<16xi1> to vector<16xi32>
      %add3A_282 = arith.addi %add3A_279, %convert_element_type3A_281 : vector<16xi32>
      %lt3A_283 = arith.constant 4 : i32
      %lt3A_284 = vector.broadcast %lt3A_283 : i32 to vector<16xi32>
      %lt3A_285 = arith.cmpi slt, %add3A_282, %lt3A_284 : vector<16xi32>
      %mul3A_286 = arith.constant 3 : i32
      %mul3A_287 = vector.broadcast %mul3A_286 : i32 to vector<16xi32>
      %mul3A_288 = arith.muli %add3A_282, %mul3A_287 : vector<16xi32>
      %add3A_289 = arith.addi %add3A_165, %mul3A_288 : vector<16xi32>
      %add3A_290 = arith.constant 0 : i32
      %add3A_291 = vector.broadcast %add3A_290 : i32 to vector<16xi32>
      %add3A_292 = arith.addi %add3A_289, %add3A_291 : vector<16xi32>
      tpu.vector_store_idx %arg11[%add3A_292], %gather3A_127 masked %lt3A_285 : memref<6144xf32, #tpu.memory_space<vmem>>[vector<16xi32>], vector<16xf32>, vector<16xi1>
      %add3A_293 = arith.constant 1 : i32
      %add3A_294 = vector.broadcast %add3A_293 : i32 to vector<16xi32>
      %add3A_295 = arith.addi %add3A_289, %add3A_294 : vector<16xi32>
      tpu.vector_store_idx %arg11[%add3A_295], %gather3A_131 masked %lt3A_285 : memref<6144xf32, #tpu.memory_space<vmem>>[vector<16xi32>], vector<16xf32>, vector<16xi1>
      %add3A_296 = arith.constant 2 : i32
      %add3A_297 = vector.broadcast %add3A_296 : i32 to vector<16xi32>
      %add3A_298 = arith.addi %add3A_289, %add3A_297 : vector<16xi32>
      tpu.vector_store_idx %arg11[%add3A_298], %gather3A_135 masked %lt3A_285 : memref<6144xf32, #tpu.memory_space<vmem>>[vector<16xi32>], vector<16xf32>, vector<16xi1>
      %broadcast_in_dim3A_299 = arith.constant 0 : i32
      %broadcast_in_dim3A_300 = vector.broadcast %broadcast_in_dim3A_299 : i32 to vector<16xi32>
      %gt3A_301 = arith.cmpf ogt, %add3A_89, %add3A_157 : vector<16xf32>
      %convert_element_type3A_302 = arith.extui %gt3A_301 : vector<16xi1> to vector<16xi32>
      %add3A_303 = arith.addi %broadcast_in_dim3A_300, %convert_element_type3A_302 : vector<16xi32>
      %eq3A_304 = arith.cmpf oeq, %add3A_89, %add3A_157 : vector<16xf32>
      %convert_element_type3A_305 = arith.extui %eq3A_304 : vector<16xi1> to vector<16xi32>
      %add3A_306 = arith.addi %add3A_303, %convert_element_type3A_305 : vector<16xi32>
      %gt3A_307 = arith.cmpf ogt, %add3A_106, %add3A_157 : vector<16xf32>
      %convert_element_type3A_308 = arith.extui %gt3A_307 : vector<16xi1> to vector<16xi32>
      %add3A_309 = arith.addi %add3A_306, %convert_element_type3A_308 : vector<16xi32>
      %eq3A_310 = arith.cmpf oeq, %add3A_106, %add3A_157 : vector<16xf32>
      %convert_element_type3A_311 = arith.extui %eq3A_310 : vector<16xi1> to vector<16xi32>
      %add3A_312 = arith.addi %add3A_309, %convert_element_type3A_311 : vector<16xi32>
      %gt3A_313 = arith.cmpf ogt, %add3A_123, %add3A_157 : vector<16xf32>
      %convert_element_type3A_314 = arith.extui %gt3A_313 : vector<16xi1> to vector<16xi32>
      %add3A_315 = arith.addi %add3A_312, %convert_element_type3A_314 : vector<16xi32>
      %eq3A_316 = arith.cmpf oeq, %add3A_123, %add3A_157 : vector<16xf32>
      %convert_element_type3A_317 = arith.extui %eq3A_316 : vector<16xi1> to vector<16xi32>
      %add3A_318 = arith.addi %add3A_315, %convert_element_type3A_317 : vector<16xi32>
      %gt3A_319 = arith.cmpf ogt, %add3A_140, %add3A_157 : vector<16xf32>
      %convert_element_type3A_320 = arith.extui %gt3A_319 : vector<16xi1> to vector<16xi32>
      %add3A_321 = arith.addi %add3A_318, %convert_element_type3A_320 : vector<16xi32>
      %eq3A_322 = arith.cmpf oeq, %add3A_140, %add3A_157 : vector<16xf32>
      %convert_element_type3A_323 = arith.extui %eq3A_322 : vector<16xi1> to vector<16xi32>
      %add3A_324 = arith.addi %add3A_321, %convert_element_type3A_323 : vector<16xi32>
      %lt3A_325 = arith.constant 4 : i32
      %lt3A_326 = vector.broadcast %lt3A_325 : i32 to vector<16xi32>
      %lt3A_327 = arith.cmpi slt, %add3A_324, %lt3A_326 : vector<16xi32>
      %mul3A_328 = arith.constant 3 : i32
      %mul3A_329 = vector.broadcast %mul3A_328 : i32 to vector<16xi32>
      %mul3A_330 = arith.muli %add3A_324, %mul3A_329 : vector<16xi32>
      %add3A_331 = arith.addi %add3A_165, %mul3A_330 : vector<16xi32>
      %add3A_332 = arith.constant 0 : i32
      %add3A_333 = vector.broadcast %add3A_332 : i32 to vector<16xi32>
      %add3A_334 = arith.addi %add3A_331, %add3A_333 : vector<16xi32>
      tpu.vector_store_idx %arg11[%add3A_334], %gather3A_144 masked %lt3A_327 : memref<6144xf32, #tpu.memory_space<vmem>>[vector<16xi32>], vector<16xf32>, vector<16xi1>
      %add3A_335 = arith.constant 1 : i32
      %add3A_336 = vector.broadcast %add3A_335 : i32 to vector<16xi32>
      %add3A_337 = arith.addi %add3A_331, %add3A_336 : vector<16xi32>
      tpu.vector_store_idx %arg11[%add3A_337], %gather3A_148 masked %lt3A_327 : memref<6144xf32, #tpu.memory_space<vmem>>[vector<16xi32>], vector<16xf32>, vector<16xi1>
      %add3A_338 = arith.constant 2 : i32
      %add3A_339 = vector.broadcast %add3A_338 : i32 to vector<16xi32>
      %add3A_340 = arith.addi %add3A_331, %add3A_339 : vector<16xi32>
      tpu.vector_store_idx %arg11[%add3A_340], %gather3A_152 masked %lt3A_327 : memref<6144xf32, #tpu.memory_space<vmem>>[vector<16xi32>], vector<16xf32>, vector<16xi1>
    }
    %scan3A_51 = arith.constant 32 : i32
    %mul3A_52 = arith.constant 12 : i32
    %mul3A_53 = arith.muli %mul3A_2, %mul3A_52 : i32
    "tpu.region"() ({
      %run_scoped3A = tpu.sem_alloc : memref<!tpu.dma_semaphore, #tpu.memory_space<semaphore_mem>>
      %dma_start3A_54 = tpu.memref_slice %arg4[%mul3A_53] : memref<196608xf32, #tpu.memory_space<hbm>> -> memref<6144xf32, #tpu.memory_space<hbm>>
      %dma_start3A_55 = tpu.memref_slice %arg4[%mul3A_53] : memref<196608xf32, #tpu.memory_space<hbm>> -> memref<6144xf32, #tpu.memory_space<hbm>>
      tpu.enqueue_dma source(%arg11 : memref<6144xf32, #tpu.memory_space<vmem>>) target(%dma_start3A_55 : memref<6144xf32, #tpu.memory_space<hbm>>) target_semaphore(%run_scoped3A : memref<!tpu.dma_semaphore, #tpu.memory_space<semaphore_mem>>)
      %dma_wait3A_56 = tpu.memref_slice %arg4[%mul3A_53] : memref<196608xf32, #tpu.memory_space<hbm>> -> memref<6144xf32, #tpu.memory_space<hbm>>
      %dma_wait3A_57 = tpu.memref_slice %arg4[%mul3A_53] : memref<196608xf32, #tpu.memory_space<hbm>> -> memref<6144xf32, #tpu.memory_space<hbm>>
      tpu.wait_dma2 semaphore(%run_scoped3A : memref<!tpu.dma_semaphore, #tpu.memory_space<semaphore_mem>>) src(%arg11 : memref<6144xf32, #tpu.memory_space<vmem>>) dst(%dma_wait3A_57 : memref<6144xf32, #tpu.memory_space<hbm>>)
      tpu.yield
    }) : () -> ()
    return
  }
}

module attributes {stable_mosaic.version = 14 : i64} {
  func.func @_tc_body(%arg0: i32, %arg1: memref<1xf32, #tpu.memory_space<smem>>, %arg2: memref<2048x15xf32, #tpu.memory_space<vmem>>, %arg3: memref<3x256xbf16, #tpu.memory_space<vmem>>, %arg4: memref<3x256xbf16, #tpu.memory_space<vmem>>, %arg5: memref<256x3xbf16, #tpu.memory_space<vmem>>, %arg6: memref<256x3xbf16, #tpu.memory_space<vmem>>, %arg7: memref<256x256xbf16, #tpu.memory_space<vmem>>, %arg8: memref<256x256xbf16, #tpu.memory_space<vmem>>, %arg9: memref<1x256xf32, #tpu.memory_space<vmem>>, %arg10: memref<5x2048x3xf32, #tpu.memory_space<vmem>>) attributes {dimension_semantics = [#tpu.dimension_semantics<arbitrary>], iteration_bounds = array<i64: 8>, scalar_prefetch = 0 : i64, scratch_operands = 0 : i64, tpu.core_type = #tpu.core_type<tc>, window_params = [{transform_indices = @transform_0, window_bounds = array<i64: 1>}, {transform_indices = @transform_1, window_bounds = array<i64: 2048, 15>}, {pipeline_mode = #tpu.pipeline_mode<synchronous>, transform_indices = @transform_2, window_bounds = array<i64: 3, 256>}, {pipeline_mode = #tpu.pipeline_mode<synchronous>, transform_indices = @transform_3, window_bounds = array<i64: 3, 256>}, {pipeline_mode = #tpu.pipeline_mode<synchronous>, transform_indices = @transform_4, window_bounds = array<i64: 256, 3>}, {pipeline_mode = #tpu.pipeline_mode<synchronous>, transform_indices = @transform_5, window_bounds = array<i64: 256, 3>}, {pipeline_mode = #tpu.pipeline_mode<synchronous>, transform_indices = @transform_6, window_bounds = array<i64: 256, 256>}, {pipeline_mode = #tpu.pipeline_mode<synchronous>, transform_indices = @transform_7, window_bounds = array<i64: 256, 256>}, {pipeline_mode = #tpu.pipeline_mode<synchronous>, transform_indices = @transform_8, window_bounds = array<i64: 1, 256>}, {transform_indices = @transform_9, window_bounds = array<i64: 5, 2048, 3>}]} {
    %get3A = arith.constant 0 : index
    %get3A_0 = arith.constant 0 : index
    %get3A_1 = vector.load %arg9[%get3A, %get3A_0] : memref<1x256xf32, #tpu.memory_space<vmem>>, vector<1x256xf32>
    %get3A_2 = arith.constant 0 : index
    %get3A_3 = memref.load %arg1[%get3A_2] : memref<1xf32, #tpu.memory_space<smem>>
    %mul3A = vector.broadcast %get3A_3 : f32 to vector<1x256xf32>
    %mul3A_4 = arith.mulf %get3A_1, %mul3A : vector<1x256xf32>
    %get3A_5 = arith.constant 0 : index
    %get3A_6 = arith.constant 0 : index
    %get3A_7 = vector.load %arg2[%get3A_5, %get3A_6] : memref<2048x15xf32, #tpu.memory_space<vmem>>, vector<2048x15xf32>
    %get3A_8 = arith.constant 0 : index
    %get3A_9 = arith.constant 0 : index
    %get3A_10 = vector.load %arg3[%get3A_8, %get3A_9] : memref<3x256xbf16, #tpu.memory_space<vmem>>, vector<3x256xbf16>
    %get3A_11 = arith.constant 0 : index
    %get3A_12 = arith.constant 0 : index
    %get3A_13 = vector.load %arg4[%get3A_11, %get3A_12] : memref<3x256xbf16, #tpu.memory_space<vmem>>, vector<3x256xbf16>
    %get3A_14 = arith.constant 0 : index
    %get3A_15 = arith.constant 0 : index
    %get3A_16 = vector.load %arg7[%get3A_14, %get3A_15] : memref<256x256xbf16, #tpu.memory_space<vmem>>, vector<256x256xbf16>
    %get3A_17 = arith.constant 0 : index
    %get3A_18 = arith.constant 0 : index
    %get3A_19 = vector.load %arg8[%get3A_17, %get3A_18] : memref<256x256xbf16, #tpu.memory_space<vmem>>, vector<256x256xbf16>
    %get3A_20 = arith.constant 0 : index
    %get3A_21 = arith.constant 0 : index
    %get3A_22 = vector.load %arg5[%get3A_20, %get3A_21] : memref<256x3xbf16, #tpu.memory_space<vmem>>, vector<256x3xbf16>
    %get3A_23 = arith.constant 0 : index
    %get3A_24 = arith.constant 0 : index
    %get3A_25 = vector.load %arg6[%get3A_23, %get3A_24] : memref<256x3xbf16, #tpu.memory_space<vmem>>, vector<256x3xbf16>
    %slice3A = vector.extract_strided_slice %get3A_7 {offsets = [0, 0], sizes = [2048, 3], strides = [1, 1]} : vector<2048x15xf32> to vector<2048x3xf32>
    %convert_element_type3A = arith.truncf %slice3A : vector<2048x3xf32> to vector<2048x3xbf16>
    %dot_general3A = arith.constant dense<0.000000e+00> : vector<2048x256xf32>
    %dot_general3A_26 = tpu.matmul %convert_element_type3A, %get3A_10, %dot_general3A {dimension_numbers = #tpu.dot_dimension_numbers<[1], [0], [0], [1], [0, 0, 1, 1], [], []>, transpose_lhs_hint = false} : vector<2048x3xbf16>, vector<3x256xbf16>, vector<2048x256xf32> -> vector<2048x256xf32>
    %max3A = arith.constant 0.000000e+00 : f32
    %max3A_27 = vector.broadcast %max3A : f32 to vector<2048x256xf32>
    %max3A_28 = arith.maximumf %dot_general3A_26, %max3A_27 : vector<2048x256xf32>
    %convert_element_type3A_29 = arith.truncf %max3A_28 : vector<2048x256xf32> to vector<2048x256xbf16>
    %dot_general3A_30 = arith.constant dense<0.000000e+00> : vector<2048x256xf32>
    %dot_general3A_31 = tpu.matmul %convert_element_type3A_29, %get3A_16, %dot_general3A_30 {dimension_numbers = #tpu.dot_dimension_numbers<[1], [0], [0], [1], [0, 0, 1, 1], [], []>, transpose_lhs_hint = false} : vector<2048x256xbf16>, vector<256x256xbf16>, vector<2048x256xf32> -> vector<2048x256xf32>
    %dot_general3A_32 = arith.constant dense<0.000000e+00> : vector<2048x256xf32>
    %dot_general3A_33 = tpu.matmul %convert_element_type3A, %get3A_13, %dot_general3A_32 {dimension_numbers = #tpu.dot_dimension_numbers<[1], [0], [0], [1], [0, 0, 1, 1], [], []>, transpose_lhs_hint = false} : vector<2048x3xbf16>, vector<3x256xbf16>, vector<2048x256xf32> -> vector<2048x256xf32>
    %add3A = arith.addf %dot_general3A_31, %dot_general3A_33 : vector<2048x256xf32>
    %gt3A = arith.constant 0.000000e+00 : f32
    %gt3A_34 = vector.broadcast %gt3A : f32 to vector<2048x256xf32>
    %gt3A_35 = arith.cmpf ogt, %add3A, %gt3A_34 : vector<2048x256xf32>
    %jit3A = arith.constant 0.000000e+00 : f32
    %broadcast_in_dim3A = vector.shape_cast %mul3A_4 : vector<1x256xf32> to vector<1x256xf32>
    %broadcast_in_dim3A_36 = vector.broadcast %broadcast_in_dim3A : vector<1x256xf32> to vector<2048x256xf32>
    %broadcast_in_dim3A_37 = vector.broadcast %jit3A : f32 to vector<2048x256xf32>
    %select_n3A = arith.select %gt3A_35, %broadcast_in_dim3A_36, %broadcast_in_dim3A_37 : vector<2048x256xi1>, vector<2048x256xf32>
    %convert_element_type3A_38 = arith.truncf %select_n3A : vector<2048x256xf32> to vector<2048x256xbf16>
    %dot_general3A_39 = arith.constant dense<0.000000e+00> : vector<2048x256xf32>
    %dot_general3A_40 = tpu.matmul %convert_element_type3A_38, %get3A_19, %dot_general3A_39 {dimension_numbers = #tpu.dot_dimension_numbers<[1], [0], [0], [1], [0, 0, 1, 1], [], []>, transpose_lhs_hint = false} : vector<2048x256xbf16>, vector<256x256xbf16>, vector<2048x256xf32> -> vector<2048x256xf32>
    %gt3A_41 = arith.constant 0.000000e+00 : f32
    %gt3A_42 = vector.broadcast %gt3A_41 : f32 to vector<2048x256xf32>
    %gt3A_43 = arith.cmpf ogt, %dot_general3A_26, %gt3A_42 : vector<2048x256xf32>
    %jit3A_44 = arith.constant 0.000000e+00 : f32
    %broadcast_in_dim3A_45 = vector.broadcast %jit3A_44 : f32 to vector<2048x256xf32>
    %select_n3A_46 = arith.select %gt3A_43, %dot_general3A_40, %broadcast_in_dim3A_45 : vector<2048x256xi1>, vector<2048x256xf32>
    %convert_element_type3A_47 = arith.truncf %select_n3A_46 : vector<2048x256xf32> to vector<2048x256xbf16>
    %dot_general3A_48 = arith.constant dense<0.000000e+00> : vector<2048x3xf32>
    %dot_general3A_49 = tpu.matmul %convert_element_type3A_38, %get3A_25, %dot_general3A_48 {dimension_numbers = #tpu.dot_dimension_numbers<[1], [0], [0], [1], [0, 0, 1, 1], [], []>, transpose_lhs_hint = false} : vector<2048x256xbf16>, vector<256x3xbf16>, vector<2048x3xf32> -> vector<2048x3xf32>
    %dot_general3A_50 = arith.constant dense<0.000000e+00> : vector<2048x3xf32>
    %dot_general3A_51 = tpu.matmul %convert_element_type3A_47, %get3A_22, %dot_general3A_50 {dimension_numbers = #tpu.dot_dimension_numbers<[1], [0], [0], [1], [0, 0, 1, 1], [], []>, transpose_lhs_hint = false} : vector<2048x256xbf16>, vector<256x3xbf16>, vector<2048x3xf32> -> vector<2048x3xf32>
    %add3A_52 = arith.addf %dot_general3A_49, %dot_general3A_51 : vector<2048x3xf32>
    %swap3A = arith.constant 0 : index
    %swap3A_53 = arith.constant 0 : index
    %swap3A_54 = arith.constant 0 : index
    %swap3A_55 = vector.load %arg10[%swap3A, %swap3A_53, %swap3A_54] : memref<5x2048x3xf32, #tpu.memory_space<vmem>>, vector<1x2048x3xf32>
    %swap3A_56 = vector.shape_cast %swap3A_55 : vector<1x2048x3xf32> to vector<2048x3xf32>
    %swap3A_57 = vector.shape_cast %add3A_52 : vector<2048x3xf32> to vector<1x2048x3xf32>
    tpu.vector_store %arg10[%swap3A, %swap3A_53, %swap3A_54], %swap3A_57 {strides = array<i32>} : memref<5x2048x3xf32, #tpu.memory_space<vmem>>, vector<1x2048x3xf32>,
    %slice3A_58 = vector.extract_strided_slice %get3A_7 {offsets = [0, 3], sizes = [2048, 3], strides = [1, 1]} : vector<2048x15xf32> to vector<2048x3xf32>
    %convert_element_type3A_59 = arith.truncf %slice3A_58 : vector<2048x3xf32> to vector<2048x3xbf16>
    %dot_general3A_60 = arith.constant dense<0.000000e+00> : vector<2048x256xf32>
    %dot_general3A_61 = tpu.matmul %convert_element_type3A_59, %get3A_10, %dot_general3A_60 {dimension_numbers = #tpu.dot_dimension_numbers<[1], [0], [0], [1], [0, 0, 1, 1], [], []>, transpose_lhs_hint = false} : vector<2048x3xbf16>, vector<3x256xbf16>, vector<2048x256xf32> -> vector<2048x256xf32>
    %max3A_62 = arith.constant 0.000000e+00 : f32
    %max3A_63 = vector.broadcast %max3A_62 : f32 to vector<2048x256xf32>
    %max3A_64 = arith.maximumf %dot_general3A_61, %max3A_63 : vector<2048x256xf32>
    %convert_element_type3A_65 = arith.truncf %max3A_64 : vector<2048x256xf32> to vector<2048x256xbf16>
    %dot_general3A_66 = arith.constant dense<0.000000e+00> : vector<2048x256xf32>
    %dot_general3A_67 = tpu.matmul %convert_element_type3A_65, %get3A_16, %dot_general3A_66 {dimension_numbers = #tpu.dot_dimension_numbers<[1], [0], [0], [1], [0, 0, 1, 1], [], []>, transpose_lhs_hint = false} : vector<2048x256xbf16>, vector<256x256xbf16>, vector<2048x256xf32> -> vector<2048x256xf32>
    %dot_general3A_68 = arith.constant dense<0.000000e+00> : vector<2048x256xf32>
    %dot_general3A_69 = tpu.matmul %convert_element_type3A_59, %get3A_13, %dot_general3A_68 {dimension_numbers = #tpu.dot_dimension_numbers<[1], [0], [0], [1], [0, 0, 1, 1], [], []>, transpose_lhs_hint = false} : vector<2048x3xbf16>, vector<3x256xbf16>, vector<2048x256xf32> -> vector<2048x256xf32>
    %add3A_70 = arith.addf %dot_general3A_67, %dot_general3A_69 : vector<2048x256xf32>
    %gt3A_71 = arith.constant 0.000000e+00 : f32
    %gt3A_72 = vector.broadcast %gt3A_71 : f32 to vector<2048x256xf32>
    %gt3A_73 = arith.cmpf ogt, %add3A_70, %gt3A_72 : vector<2048x256xf32>
    %jit3A_74 = arith.constant 0.000000e+00 : f32
    %broadcast_in_dim3A_75 = vector.shape_cast %mul3A_4 : vector<1x256xf32> to vector<1x256xf32>
    %broadcast_in_dim3A_76 = vector.broadcast %broadcast_in_dim3A_75 : vector<1x256xf32> to vector<2048x256xf32>
    %broadcast_in_dim3A_77 = vector.broadcast %jit3A_74 : f32 to vector<2048x256xf32>
    %select_n3A_78 = arith.select %gt3A_73, %broadcast_in_dim3A_76, %broadcast_in_dim3A_77 : vector<2048x256xi1>, vector<2048x256xf32>
    %convert_element_type3A_79 = arith.truncf %select_n3A_78 : vector<2048x256xf32> to vector<2048x256xbf16>
    %dot_general3A_80 = arith.constant dense<0.000000e+00> : vector<2048x256xf32>
    %dot_general3A_81 = tpu.matmul %convert_element_type3A_79, %get3A_19, %dot_general3A_80 {dimension_numbers = #tpu.dot_dimension_numbers<[1], [0], [0], [1], [0, 0, 1, 1], [], []>, transpose_lhs_hint = false} : vector<2048x256xbf16>, vector<256x256xbf16>, vector<2048x256xf32> -> vector<2048x256xf32>
    %gt3A_82 = arith.constant 0.000000e+00 : f32
    %gt3A_83 = vector.broadcast %gt3A_82 : f32 to vector<2048x256xf32>
    %gt3A_84 = arith.cmpf ogt, %dot_general3A_61, %gt3A_83 : vector<2048x256xf32>
    %jit3A_85 = arith.constant 0.000000e+00 : f32
    %broadcast_in_dim3A_86 = vector.broadcast %jit3A_85 : f32 to vector<2048x256xf32>
    %select_n3A_87 = arith.select %gt3A_84, %dot_general3A_81, %broadcast_in_dim3A_86 : vector<2048x256xi1>, vector<2048x256xf32>
    %convert_element_type3A_88 = arith.truncf %select_n3A_87 : vector<2048x256xf32> to vector<2048x256xbf16>
    %dot_general3A_89 = arith.constant dense<0.000000e+00> : vector<2048x3xf32>
    %dot_general3A_90 = tpu.matmul %convert_element_type3A_79, %get3A_25, %dot_general3A_89 {dimension_numbers = #tpu.dot_dimension_numbers<[1], [0], [0], [1], [0, 0, 1, 1], [], []>, transpose_lhs_hint = false} : vector<2048x256xbf16>, vector<256x3xbf16>, vector<2048x3xf32> -> vector<2048x3xf32>
    %dot_general3A_91 = arith.constant dense<0.000000e+00> : vector<2048x3xf32>
    %dot_general3A_92 = tpu.matmul %convert_element_type3A_88, %get3A_22, %dot_general3A_91 {dimension_numbers = #tpu.dot_dimension_numbers<[1], [0], [0], [1], [0, 0, 1, 1], [], []>, transpose_lhs_hint = false} : vector<2048x256xbf16>, vector<256x3xbf16>, vector<2048x3xf32> -> vector<2048x3xf32>
    %add3A_93 = arith.addf %dot_general3A_90, %dot_general3A_92 : vector<2048x3xf32>
    %swap3A_94 = arith.constant 1 : index
    %swap3A_95 = arith.constant 0 : index
    %swap3A_96 = arith.constant 0 : index
    %swap3A_97 = vector.load %arg10[%swap3A_94, %swap3A_95, %swap3A_96] : memref<5x2048x3xf32, #tpu.memory_space<vmem>>, vector<1x2048x3xf32>
    %swap3A_98 = vector.shape_cast %swap3A_97 : vector<1x2048x3xf32> to vector<2048x3xf32>
    %swap3A_99 = vector.shape_cast %add3A_93 : vector<2048x3xf32> to vector<1x2048x3xf32>
    tpu.vector_store %arg10[%swap3A_94, %swap3A_95, %swap3A_96], %swap3A_99 {strides = array<i32>} : memref<5x2048x3xf32, #tpu.memory_space<vmem>>, vector<1x2048x3xf32>,
    %slice3A_100 = vector.extract_strided_slice %get3A_7 {offsets = [0, 6], sizes = [2048, 3], strides = [1, 1]} : vector<2048x15xf32> to vector<2048x3xf32>
    %convert_element_type3A_101 = arith.truncf %slice3A_100 : vector<2048x3xf32> to vector<2048x3xbf16>
    %dot_general3A_102 = arith.constant dense<0.000000e+00> : vector<2048x256xf32>
    %dot_general3A_103 = tpu.matmul %convert_element_type3A_101, %get3A_10, %dot_general3A_102 {dimension_numbers = #tpu.dot_dimension_numbers<[1], [0], [0], [1], [0, 0, 1, 1], [], []>, transpose_lhs_hint = false} : vector<2048x3xbf16>, vector<3x256xbf16>, vector<2048x256xf32> -> vector<2048x256xf32>
    %max3A_104 = arith.constant 0.000000e+00 : f32
    %max3A_105 = vector.broadcast %max3A_104 : f32 to vector<2048x256xf32>
    %max3A_106 = arith.maximumf %dot_general3A_103, %max3A_105 : vector<2048x256xf32>
    %convert_element_type3A_107 = arith.truncf %max3A_106 : vector<2048x256xf32> to vector<2048x256xbf16>
    %dot_general3A_108 = arith.constant dense<0.000000e+00> : vector<2048x256xf32>
    %dot_general3A_109 = tpu.matmul %convert_element_type3A_107, %get3A_16, %dot_general3A_108 {dimension_numbers = #tpu.dot_dimension_numbers<[1], [0], [0], [1], [0, 0, 1, 1], [], []>, transpose_lhs_hint = false} : vector<2048x256xbf16>, vector<256x256xbf16>, vector<2048x256xf32> -> vector<2048x256xf32>
    %dot_general3A_110 = arith.constant dense<0.000000e+00> : vector<2048x256xf32>
    %dot_general3A_111 = tpu.matmul %convert_element_type3A_101, %get3A_13, %dot_general3A_110 {dimension_numbers = #tpu.dot_dimension_numbers<[1], [0], [0], [1], [0, 0, 1, 1], [], []>, transpose_lhs_hint = false} : vector<2048x3xbf16>, vector<3x256xbf16>, vector<2048x256xf32> -> vector<2048x256xf32>
    %add3A_112 = arith.addf %dot_general3A_109, %dot_general3A_111 : vector<2048x256xf32>
    %gt3A_113 = arith.constant 0.000000e+00 : f32
    %gt3A_114 = vector.broadcast %gt3A_113 : f32 to vector<2048x256xf32>
    %gt3A_115 = arith.cmpf ogt, %add3A_112, %gt3A_114 : vector<2048x256xf32>
    %jit3A_116 = arith.constant 0.000000e+00 : f32
    %broadcast_in_dim3A_117 = vector.shape_cast %mul3A_4 : vector<1x256xf32> to vector<1x256xf32>
    %broadcast_in_dim3A_118 = vector.broadcast %broadcast_in_dim3A_117 : vector<1x256xf32> to vector<2048x256xf32>
    %broadcast_in_dim3A_119 = vector.broadcast %jit3A_116 : f32 to vector<2048x256xf32>
    %select_n3A_120 = arith.select %gt3A_115, %broadcast_in_dim3A_118, %broadcast_in_dim3A_119 : vector<2048x256xi1>, vector<2048x256xf32>
    %convert_element_type3A_121 = arith.truncf %select_n3A_120 : vector<2048x256xf32> to vector<2048x256xbf16>
    %dot_general3A_122 = arith.constant dense<0.000000e+00> : vector<2048x256xf32>
    %dot_general3A_123 = tpu.matmul %convert_element_type3A_121, %get3A_19, %dot_general3A_122 {dimension_numbers = #tpu.dot_dimension_numbers<[1], [0], [0], [1], [0, 0, 1, 1], [], []>, transpose_lhs_hint = false} : vector<2048x256xbf16>, vector<256x256xbf16>, vector<2048x256xf32> -> vector<2048x256xf32>
    %gt3A_124 = arith.constant 0.000000e+00 : f32
    %gt3A_125 = vector.broadcast %gt3A_124 : f32 to vector<2048x256xf32>
    %gt3A_126 = arith.cmpf ogt, %dot_general3A_103, %gt3A_125 : vector<2048x256xf32>
    %jit3A_127 = arith.constant 0.000000e+00 : f32
    %broadcast_in_dim3A_128 = vector.broadcast %jit3A_127 : f32 to vector<2048x256xf32>
    %select_n3A_129 = arith.select %gt3A_126, %dot_general3A_123, %broadcast_in_dim3A_128 : vector<2048x256xi1>, vector<2048x256xf32>
    %convert_element_type3A_130 = arith.truncf %select_n3A_129 : vector<2048x256xf32> to vector<2048x256xbf16>
    %dot_general3A_131 = arith.constant dense<0.000000e+00> : vector<2048x3xf32>
    %dot_general3A_132 = tpu.matmul %convert_element_type3A_121, %get3A_25, %dot_general3A_131 {dimension_numbers = #tpu.dot_dimension_numbers<[1], [0], [0], [1], [0, 0, 1, 1], [], []>, transpose_lhs_hint = false} : vector<2048x256xbf16>, vector<256x3xbf16>, vector<2048x3xf32> -> vector<2048x3xf32>
    %dot_general3A_133 = arith.constant dense<0.000000e+00> : vector<2048x3xf32>
    %dot_general3A_134 = tpu.matmul %convert_element_type3A_130, %get3A_22, %dot_general3A_133 {dimension_numbers = #tpu.dot_dimension_numbers<[1], [0], [0], [1], [0, 0, 1, 1], [], []>, transpose_lhs_hint = false} : vector<2048x256xbf16>, vector<256x3xbf16>, vector<2048x3xf32> -> vector<2048x3xf32>
    %add3A_135 = arith.addf %dot_general3A_132, %dot_general3A_134 : vector<2048x3xf32>
    %swap3A_136 = arith.constant 2 : index
    %swap3A_137 = arith.constant 0 : index
    %swap3A_138 = arith.constant 0 : index
    %swap3A_139 = vector.load %arg10[%swap3A_136, %swap3A_137, %swap3A_138] : memref<5x2048x3xf32, #tpu.memory_space<vmem>>, vector<1x2048x3xf32>
    %swap3A_140 = vector.shape_cast %swap3A_139 : vector<1x2048x3xf32> to vector<2048x3xf32>
    %swap3A_141 = vector.shape_cast %add3A_135 : vector<2048x3xf32> to vector<1x2048x3xf32>
    tpu.vector_store %arg10[%swap3A_136, %swap3A_137, %swap3A_138], %swap3A_141 {strides = array<i32>} : memref<5x2048x3xf32, #tpu.memory_space<vmem>>, vector<1x2048x3xf32>,
    %slice3A_142 = vector.extract_strided_slice %get3A_7 {offsets = [0, 9], sizes = [2048, 3], strides = [1, 1]} : vector<2048x15xf32> to vector<2048x3xf32>
    %convert_element_type3A_143 = arith.truncf %slice3A_142 : vector<2048x3xf32> to vector<2048x3xbf16>
    %dot_general3A_144 = arith.constant dense<0.000000e+00> : vector<2048x256xf32>
    %dot_general3A_145 = tpu.matmul %convert_element_type3A_143, %get3A_10, %dot_general3A_144 {dimension_numbers = #tpu.dot_dimension_numbers<[1], [0], [0], [1], [0, 0, 1, 1], [], []>, transpose_lhs_hint = false} : vector<2048x3xbf16>, vector<3x256xbf16>, vector<2048x256xf32> -> vector<2048x256xf32>
    %max3A_146 = arith.constant 0.000000e+00 : f32
    %max3A_147 = vector.broadcast %max3A_146 : f32 to vector<2048x256xf32>
    %max3A_148 = arith.maximumf %dot_general3A_145, %max3A_147 : vector<2048x256xf32>
    %convert_element_type3A_149 = arith.truncf %max3A_148 : vector<2048x256xf32> to vector<2048x256xbf16>
    %dot_general3A_150 = arith.constant dense<0.000000e+00> : vector<2048x256xf32>
    %dot_general3A_151 = tpu.matmul %convert_element_type3A_149, %get3A_16, %dot_general3A_150 {dimension_numbers = #tpu.dot_dimension_numbers<[1], [0], [0], [1], [0, 0, 1, 1], [], []>, transpose_lhs_hint = false} : vector<2048x256xbf16>, vector<256x256xbf16>, vector<2048x256xf32> -> vector<2048x256xf32>
    %dot_general3A_152 = arith.constant dense<0.000000e+00> : vector<2048x256xf32>
    %dot_general3A_153 = tpu.matmul %convert_element_type3A_143, %get3A_13, %dot_general3A_152 {dimension_numbers = #tpu.dot_dimension_numbers<[1], [0], [0], [1], [0, 0, 1, 1], [], []>, transpose_lhs_hint = false} : vector<2048x3xbf16>, vector<3x256xbf16>, vector<2048x256xf32> -> vector<2048x256xf32>
    %add3A_154 = arith.addf %dot_general3A_151, %dot_general3A_153 : vector<2048x256xf32>
    %gt3A_155 = arith.constant 0.000000e+00 : f32
    %gt3A_156 = vector.broadcast %gt3A_155 : f32 to vector<2048x256xf32>
    %gt3A_157 = arith.cmpf ogt, %add3A_154, %gt3A_156 : vector<2048x256xf32>
    %jit3A_158 = arith.constant 0.000000e+00 : f32
    %broadcast_in_dim3A_159 = vector.shape_cast %mul3A_4 : vector<1x256xf32> to vector<1x256xf32>
    %broadcast_in_dim3A_160 = vector.broadcast %broadcast_in_dim3A_159 : vector<1x256xf32> to vector<2048x256xf32>
    %broadcast_in_dim3A_161 = vector.broadcast %jit3A_158 : f32 to vector<2048x256xf32>
    %select_n3A_162 = arith.select %gt3A_157, %broadcast_in_dim3A_160, %broadcast_in_dim3A_161 : vector<2048x256xi1>, vector<2048x256xf32>
    %convert_element_type3A_163 = arith.truncf %select_n3A_162 : vector<2048x256xf32> to vector<2048x256xbf16>
    %dot_general3A_164 = arith.constant dense<0.000000e+00> : vector<2048x256xf32>
    %dot_general3A_165 = tpu.matmul %convert_element_type3A_163, %get3A_19, %dot_general3A_164 {dimension_numbers = #tpu.dot_dimension_numbers<[1], [0], [0], [1], [0, 0, 1, 1], [], []>, transpose_lhs_hint = false} : vector<2048x256xbf16>, vector<256x256xbf16>, vector<2048x256xf32> -> vector<2048x256xf32>
    %gt3A_166 = arith.constant 0.000000e+00 : f32
    %gt3A_167 = vector.broadcast %gt3A_166 : f32 to vector<2048x256xf32>
    %gt3A_168 = arith.cmpf ogt, %dot_general3A_145, %gt3A_167 : vector<2048x256xf32>
    %jit3A_169 = arith.constant 0.000000e+00 : f32
    %broadcast_in_dim3A_170 = vector.broadcast %jit3A_169 : f32 to vector<2048x256xf32>
    %select_n3A_171 = arith.select %gt3A_168, %dot_general3A_165, %broadcast_in_dim3A_170 : vector<2048x256xi1>, vector<2048x256xf32>
    %convert_element_type3A_172 = arith.truncf %select_n3A_171 : vector<2048x256xf32> to vector<2048x256xbf16>
    %dot_general3A_173 = arith.constant dense<0.000000e+00> : vector<2048x3xf32>
    %dot_general3A_174 = tpu.matmul %convert_element_type3A_163, %get3A_25, %dot_general3A_173 {dimension_numbers = #tpu.dot_dimension_numbers<[1], [0], [0], [1], [0, 0, 1, 1], [], []>, transpose_lhs_hint = false} : vector<2048x256xbf16>, vector<256x3xbf16>, vector<2048x3xf32> -> vector<2048x3xf32>
    %dot_general3A_175 = arith.constant dense<0.000000e+00> : vector<2048x3xf32>
    %dot_general3A_176 = tpu.matmul %convert_element_type3A_172, %get3A_22, %dot_general3A_175 {dimension_numbers = #tpu.dot_dimension_numbers<[1], [0], [0], [1], [0, 0, 1, 1], [], []>, transpose_lhs_hint = false} : vector<2048x256xbf16>, vector<256x3xbf16>, vector<2048x3xf32> -> vector<2048x3xf32>
    %add3A_177 = arith.addf %dot_general3A_174, %dot_general3A_176 : vector<2048x3xf32>
    %swap3A_178 = arith.constant 3 : index
    %swap3A_179 = arith.constant 0 : index
    %swap3A_180 = arith.constant 0 : index
    %swap3A_181 = vector.load %arg10[%swap3A_178, %swap3A_179, %swap3A_180] : memref<5x2048x3xf32, #tpu.memory_space<vmem>>, vector<1x2048x3xf32>
    %swap3A_182 = vector.shape_cast %swap3A_181 : vector<1x2048x3xf32> to vector<2048x3xf32>
    %swap3A_183 = vector.shape_cast %add3A_177 : vector<2048x3xf32> to vector<1x2048x3xf32>
    tpu.vector_store %arg10[%swap3A_178, %swap3A_179, %swap3A_180], %swap3A_183 {strides = array<i32>} : memref<5x2048x3xf32, #tpu.memory_space<vmem>>, vector<1x2048x3xf32>,
    %slice3A_184 = vector.extract_strided_slice %get3A_7 {offsets = [0, 12], sizes = [2048, 3], strides = [1, 1]} : vector<2048x15xf32> to vector<2048x3xf32>
    %convert_element_type3A_185 = arith.truncf %slice3A_184 : vector<2048x3xf32> to vector<2048x3xbf16>
    %dot_general3A_186 = arith.constant dense<0.000000e+00> : vector<2048x256xf32>
    %dot_general3A_187 = tpu.matmul %convert_element_type3A_185, %get3A_10, %dot_general3A_186 {dimension_numbers = #tpu.dot_dimension_numbers<[1], [0], [0], [1], [0, 0, 1, 1], [], []>, transpose_lhs_hint = false} : vector<2048x3xbf16>, vector<3x256xbf16>, vector<2048x256xf32> -> vector<2048x256xf32>
    %max3A_188 = arith.constant 0.000000e+00 : f32
    %max3A_189 = vector.broadcast %max3A_188 : f32 to vector<2048x256xf32>
    %max3A_190 = arith.maximumf %dot_general3A_187, %max3A_189 : vector<2048x256xf32>
    %convert_element_type3A_191 = arith.truncf %max3A_190 : vector<2048x256xf32> to vector<2048x256xbf16>
    %dot_general3A_192 = arith.constant dense<0.000000e+00> : vector<2048x256xf32>
    %dot_general3A_193 = tpu.matmul %convert_element_type3A_191, %get3A_16, %dot_general3A_192 {dimension_numbers = #tpu.dot_dimension_numbers<[1], [0], [0], [1], [0, 0, 1, 1], [], []>, transpose_lhs_hint = false} : vector<2048x256xbf16>, vector<256x256xbf16>, vector<2048x256xf32> -> vector<2048x256xf32>
    %dot_general3A_194 = arith.constant dense<0.000000e+00> : vector<2048x256xf32>
    %dot_general3A_195 = tpu.matmul %convert_element_type3A_185, %get3A_13, %dot_general3A_194 {dimension_numbers = #tpu.dot_dimension_numbers<[1], [0], [0], [1], [0, 0, 1, 1], [], []>, transpose_lhs_hint = false} : vector<2048x3xbf16>, vector<3x256xbf16>, vector<2048x256xf32> -> vector<2048x256xf32>
    %add3A_196 = arith.addf %dot_general3A_193, %dot_general3A_195 : vector<2048x256xf32>
    %gt3A_197 = arith.constant 0.000000e+00 : f32
    %gt3A_198 = vector.broadcast %gt3A_197 : f32 to vector<2048x256xf32>
    %gt3A_199 = arith.cmpf ogt, %add3A_196, %gt3A_198 : vector<2048x256xf32>
    %jit3A_200 = arith.constant 0.000000e+00 : f32
    %broadcast_in_dim3A_201 = vector.shape_cast %mul3A_4 : vector<1x256xf32> to vector<1x256xf32>
    %broadcast_in_dim3A_202 = vector.broadcast %broadcast_in_dim3A_201 : vector<1x256xf32> to vector<2048x256xf32>
    %broadcast_in_dim3A_203 = vector.broadcast %jit3A_200 : f32 to vector<2048x256xf32>
    %select_n3A_204 = arith.select %gt3A_199, %broadcast_in_dim3A_202, %broadcast_in_dim3A_203 : vector<2048x256xi1>, vector<2048x256xf32>
    %convert_element_type3A_205 = arith.truncf %select_n3A_204 : vector<2048x256xf32> to vector<2048x256xbf16>
    %dot_general3A_206 = arith.constant dense<0.000000e+00> : vector<2048x256xf32>
    %dot_general3A_207 = tpu.matmul %convert_element_type3A_205, %get3A_19, %dot_general3A_206 {dimension_numbers = #tpu.dot_dimension_numbers<[1], [0], [0], [1], [0, 0, 1, 1], [], []>, transpose_lhs_hint = false} : vector<2048x256xbf16>, vector<256x256xbf16>, vector<2048x256xf32> -> vector<2048x256xf32>
    %gt3A_208 = arith.constant 0.000000e+00 : f32
    %gt3A_209 = vector.broadcast %gt3A_208 : f32 to vector<2048x256xf32>
    %gt3A_210 = arith.cmpf ogt, %dot_general3A_187, %gt3A_209 : vector<2048x256xf32>
    %jit3A_211 = arith.constant 0.000000e+00 : f32
    %broadcast_in_dim3A_212 = vector.broadcast %jit3A_211 : f32 to vector<2048x256xf32>
    %select_n3A_213 = arith.select %gt3A_210, %dot_general3A_207, %broadcast_in_dim3A_212 : vector<2048x256xi1>, vector<2048x256xf32>
    %convert_element_type3A_214 = arith.truncf %select_n3A_213 : vector<2048x256xf32> to vector<2048x256xbf16>
    %dot_general3A_215 = arith.constant dense<0.000000e+00> : vector<2048x3xf32>
    %dot_general3A_216 = tpu.matmul %convert_element_type3A_205, %get3A_25, %dot_general3A_215 {dimension_numbers = #tpu.dot_dimension_numbers<[1], [0], [0], [1], [0, 0, 1, 1], [], []>, transpose_lhs_hint = false} : vector<2048x256xbf16>, vector<256x3xbf16>, vector<2048x3xf32> -> vector<2048x3xf32>
    %dot_general3A_217 = arith.constant dense<0.000000e+00> : vector<2048x3xf32>
    %dot_general3A_218 = tpu.matmul %convert_element_type3A_214, %get3A_22, %dot_general3A_217 {dimension_numbers = #tpu.dot_dimension_numbers<[1], [0], [0], [1], [0, 0, 1, 1], [], []>, transpose_lhs_hint = false} : vector<2048x256xbf16>, vector<256x3xbf16>, vector<2048x3xf32> -> vector<2048x3xf32>
    %add3A_219 = arith.addf %dot_general3A_216, %dot_general3A_218 : vector<2048x3xf32>
    %swap3A_220 = arith.constant 4 : index
    %swap3A_221 = arith.constant 0 : index
    %swap3A_222 = arith.constant 0 : index
    %swap3A_223 = vector.load %arg10[%swap3A_220, %swap3A_221, %swap3A_222] : memref<5x2048x3xf32, #tpu.memory_space<vmem>>, vector<1x2048x3xf32>
    %swap3A_224 = vector.shape_cast %swap3A_223 : vector<1x2048x3xf32> to vector<2048x3xf32>
    %swap3A_225 = vector.shape_cast %add3A_219 : vector<2048x3xf32> to vector<1x2048x3xf32>
    tpu.vector_store %arg10[%swap3A_220, %swap3A_221, %swap3A_222], %swap3A_225 {strides = array<i32>} : memref<5x2048x3xf32, #tpu.memory_space<vmem>>, vector<1x2048x3xf32>,
    return
  }
  func.func @transform_0(%arg0: i32) -> i32 {
    %c0_i32 = arith.constant 0 : i32
    %c0_i32_0 = arith.constant 0 : i32
    return %c0_i32 : i32
  }
  func.func @transform_1(%arg0: i32) -> (i32, i32) {
    %c0_i32 = arith.constant 0 : i32
    %c0_i32_0 = arith.constant 0 : i32
    return %arg0, %c0_i32 : i32, i32
  }
  func.func @transform_2(%arg0: i32) -> (i32, i32) {
    %c0_i32 = arith.constant 0 : i32
    %c0_i32_0 = arith.constant 0 : i32
    %c0_i32_1 = arith.constant 0 : i32
    return %c0_i32, %c0_i32_0 : i32, i32
  }
  func.func @transform_3(%arg0: i32) -> (i32, i32) {
    %c0_i32 = arith.constant 0 : i32
    %c0_i32_0 = arith.constant 0 : i32
    %c0_i32_1 = arith.constant 0 : i32
    return %c0_i32, %c0_i32_0 : i32, i32
  }
  func.func @transform_4(%arg0: i32) -> (i32, i32) {
    %c0_i32 = arith.constant 0 : i32
    %c0_i32_0 = arith.constant 0 : i32
    %c0_i32_1 = arith.constant 0 : i32
    return %c0_i32, %c0_i32_0 : i32, i32
  }
  func.func @transform_5(%arg0: i32) -> (i32, i32) {
    %c0_i32 = arith.constant 0 : i32
    %c0_i32_0 = arith.constant 0 : i32
    %c0_i32_1 = arith.constant 0 : i32
    return %c0_i32, %c0_i32_0 : i32, i32
  }
  func.func @transform_6(%arg0: i32) -> (i32, i32) {
    %c0_i32 = arith.constant 0 : i32
    %c0_i32_0 = arith.constant 0 : i32
    %c0_i32_1 = arith.constant 0 : i32
    return %c0_i32, %c0_i32_0 : i32, i32
  }
  func.func @transform_7(%arg0: i32) -> (i32, i32) {
    %c0_i32 = arith.constant 0 : i32
    %c0_i32_0 = arith.constant 0 : i32
    %c0_i32_1 = arith.constant 0 : i32
    return %c0_i32, %c0_i32_0 : i32, i32
  }
  func.func @transform_8(%arg0: i32) -> (i32, i32) {
    %c0_i32 = arith.constant 0 : i32
    %c0_i32_0 = arith.constant 0 : i32
    %c0_i32_1 = arith.constant 0 : i32
    return %c0_i32, %c0_i32_0 : i32, i32
  }
  func.func @transform_9(%arg0: i32) -> (i32, i32, i32) {
    %c0_i32 = arith.constant 0 : i32
    %c0_i32_0 = arith.constant 0 : i32
    %c0_i32_1 = arith.constant 0 : i32
    return %c0_i32, %arg0, %c0_i32_0 : i32, i32, i32
  }
}

</mosaic_0001>

<sc_bundles>
// kernel: kernel.4.cloned.1.call-start
scs
__scs_entry_jumppad:
0x0: {  	(pc) =	sbr.rel $0x88, $3  }
0x1: {  	(tag) =	ssettag $0x0;
	lr =	simm.s32 $0x1  }
0x2: {  	[smem:$0x3F9A] =	sst lr;
	_ =	strace $0xD0000000  }
0x3: {  	_ = 	snop  }
0x4: {  	_ = 	snop  }
0x5: {  	_ = 	snop  }
0x6: {  	_ = 	snop  }
0x7: {  	_ = 	snop  }
__scs_overlays_trampoline_lowered:
0x8: {  	[smem:$0x3FA9] =	sst s0  }
0x9: {  	[smem:$0x3FAA] =	sst s1  }
0xa: {  	[smem:$0x3FAB] =	sst s2  }
0xb: {  	[smem:$0x3FAC] =	sst s3  }
0xc: {  	[smem:$0x3FAD] =	sst s4  }
0xd: {  	[smem:$0x3FAE] =	sst s5  }
0xe: {  	[smem:$0x3FAF] =	sst s6  }
0xf: {  	[smem:$0x3FB0] =	sst s7  }
0x10: {  	[smem:$0x3FB1] =	sst s8  }
0x11: {  	[smem:$0x3FB2] =	sst s9;
	s0 =	simm.s32 @!p0 $0x0  }
0x12: {  	s1 =	sld [smem:$0x3F98];
	s0 =	simm.s32 @p0 $0x1  }
0x13: {  	[smem:$0x3FB3] =	sst s0;
	s0 =	simm.s32 @!p1 $0x0  }
0x14: {  	s2 =	sld [smem:$0x3F97];
	s0 =	simm.s32 @p1 $0x1  }
0x15: {  	[smem:$0x3FB4] =	sst s0;
	s0 =	simm.s32 @!p2 $0x0  }
0x16: {  	s3 =	sld [smem:$0x3FDB];
	s0 =	simm.s32 @p2 $0x1  }
0x17: {  	s4 =	simm.s32 $0x1BF5;
	[smem:$0x3FB6] =	sst s0  }
0x18: {  	s0 =	sld [smem:$0x3F99];
	_ =	swait.ge [sflag:s4], $0x0  }
0x19: {  	s7 =	sld [smem:$0x3F9A]  }
0x1a: {  	s8 =	sadd.s32 $0xFFFFE003, lr  }
0x1b: {  	s9 =	sadd.s32 $0xFFFFFEF7, lr;
	s5 =	simm.s32 $0xFFFFFFFF;
	p2 =	slt.u32 s8, $0xFFFFF086  }
0x1c: {  	p1 =	slt.u32 s9, $0xF7A;
	s5 =	simm.s32 @!p2 $0x0  }
0x1d: {  	s5 =	simm.s32 @p1 $0x1;
	p0 =	seq.s32 s7, s2  }
0x1e: {  	s7 =	smul.u32 @!p0 $0xF7A, s2;
	p2 =	seq.s32 @!p0 s5, $0x0  }
0x1f: {  	s9 =	smul.u32 $0xF7A, s1;
	s8 =	simm.s32 @!p0 $0x1BF5;
	p2 =	por !p2, p0  }
0x20: {  	[sflag:s8] =	ssyncset.s32 @!p0 $0xFFFFF086;
	s6 =	sadd.s32 @!p0 s3, s7;
	s7 =	simm.s32 @!p0 $0x108  }
0x21: {  	s3 =	sadd.s32 s3, s9;
	s6 =	sadd.s32 @!p0 $0x88, s6;
	s7 =	simm.s32 @p2 $0x1082  }
0x22: {  	[simem:s7], [sflag:s8] =	dma.local @!p0 [hbm:s6], $0xF7A  }
0x23: {  	s9 =	sor.u32 $0xD0000000, s2;
	s6 =	simm.s32 $0x108;
	_ =	swait.ge @!p0 [sflag:s8], $0x0  }
0x24: {  	s3 =	sadd.s32 $0x88, s3;
	s6 =	simm.s32 @!p1 $0x1082;
	[sflag:s4] =	ssyncset.s32 $0xFFFFF086  }
0x25: {  	[simem:s6], [sflag:s4] =	dma.local [hbm:s3], $0xF7A  }
0x26: {  	[smem:$0x3F9A] =	sst s1;
	(tag) =	ssettag s2;
	_ =	strace s9  }
0x27: {  	s1 =	sld [smem:$0x3FAA]  }
0x28: {  	s2 =	sld [smem:$0x3FAB]  }
0x29: {  	s4 =	sld [smem:$0x3FAD]  }
0x2a: {  	p0 =	seq.s32 s5, $0x0;
	s5 =	sld [smem:$0x3FAE]  }
0x2b: {  	s6 =	sld [smem:$0x3FAF]  }
0x2c: {  	s7 =	sld [smem:$0x3FB0]  }
0x2d: {  	s3 =	simm.s32 $0x108;
	s8 =	sld [smem:$0x3FB1]  }
0x2e: {  	s3 =	simm.s32 @!p0 $0x1082;
	s9 =	sld [smem:$0x3FB2]  }
0x2f: {  	lr =	sadd.s32 s0, s3;
	s0 =	sld [smem:$0x3FA9]  }
0x30: {  	s3 =	sld [smem:$0x3FAC]  }
0x31: {  	[smem:$0x3FB5] =	sst s10  }
0x32: {  	s10 =	sld [smem:$0x3FB3];
	_ =	sdelay $0x3  }
0x33: {  	p0 =	seq.s32 s10, $0x1;
	s10 =	sld [smem:$0x3FB5];
	_ =	sdelay $0x3  }
0x34: {  	[smem:$0x3FB5] =	sst s10  }
0x35: {  	s10 =	sld [smem:$0x3FB4];
	_ =	sdelay $0x3  }
0x36: {  	p1 =	seq.s32 s10, $0x1;
	s10 =	sld [smem:$0x3FB5];
	_ =	sdelay $0x3  }
0x37: {  	[smem:$0x3FB5] =	sst s10  }
0x38: {  	s10 =	sld [smem:$0x3FB6]  }
0x39: {  	_ = 	snop;
	(pc) =	sbr.ind lr, $3  }
0x3a: {  	_ = 	snop  }
0x3b: {  	_ = 	snop  }
0x3c: {  	p2 =	seq.s32 s10, $0x1;
	s10 =	sld [smem:$0x3FB5]  }
0x3d: {  	_ =	shalt  }
0x3e: {  	_ =	shalt  }
0x3f: {  	_ =	shalt  }
0x40: {  	_ =	shalt  }
0x41: {  	_ =	shalt  }
0x42: {  	_ =	shalt  }
0x43: {  	_ =	shalt  }
0x44: {  	_ =	shalt  }
0x45: {  	_ =	shalt  }
0x46: {  	_ =	shalt  }
0x47: {  	_ =	shalt  }
0x48: {  	_ =	shalt  }
0x49: {  	_ =	shalt  }
0x4a: {  	_ =	shalt  }
0x4b: {  	_ =	shalt  }
0x4c: {  	_ =	shalt  }
0x4d: {  	_ =	shalt  }
0x4e: {  	_ =	shalt  }
0x4f: {  	_ =	shalt  }
0x50: {  	_ =	shalt  }
0x51: {  	_ =	shalt  }
0x52: {  	_ =	shalt  }
0x53: {  	_ =	shalt  }
0x54: {  	_ =	shalt  }
0x55: {  	_ =	shalt  }
0x56: {  	_ =	shalt  }
0x57: {  	_ =	shalt  }
0x58: {  	_ =	shalt  }
0x59: {  	_ =	shalt  }
0x5a: {  	_ =	shalt  }
0x5b: {  	_ =	shalt  }
0x5c: {  	_ =	shalt  }
0x5d: {  	_ =	shalt  }
0x5e: {  	_ =	shalt  }
0x5f: {  	_ =	shalt  }
0x60: {  	_ =	shalt  }
0x61: {  	_ =	shalt  }
0x62: {  	_ =	shalt  }
0x63: {  	_ =	shalt  }
0x64: {  	_ =	shalt  }
0x65: {  	_ =	shalt  }
0x66: {  	_ =	shalt  }
0x67: {  	_ =	shalt  }
0x68: {  	_ =	shalt  }
0x69: {  	_ =	shalt  }
0x6a: {  	_ =	shalt  }
0x6b: {  	_ =	shalt  }
0x6c: {  	_ =	shalt  }
0x6d: {  	_ =	shalt  }
0x6e: {  	_ =	shalt  }
0x6f: {  	_ =	shalt  }
0x70: {  	_ =	shalt  }
0x71: {  	_ =	shalt  }
0x72: {  	_ =	shalt  }
0x73: {  	_ =	shalt  }
0x74: {  	_ =	shalt  }
0x75: {  	_ =	shalt  }
0x76: {  	_ =	shalt  }
0x77: {  	_ =	shalt  }
0x78: {  	_ =	shalt  }
0x79: {  	_ =	shalt  }
0x7a: {  	_ =	shalt  }
0x7b: {  	_ =	shalt  }
0x7c: {  	_ =	shalt  }
0x7d: {  	_ =	shalt  }
0x7e: {  	_ =	shalt  }
0x7f: {  	_ =	shalt  }
0x80: {  	_ =	shalt  }
0x81: {  	_ =	shalt  }
0x82: {  	_ =	shalt  }
0x83: {  	_ =	shalt  }
0x84: {  	_ =	shalt  }
0x85: {  	_ =	shalt  }
0x86: {  	_ =	shalt  }
0x87: {  	_ =	shalt  }
.Lfunc_end0:
.L_simem_size_0:
called_computation_lowered:
.L_overlay_start_0:
0x88: {  	s2 =	sld [smem:$0x3FD9]  }
0x89: {  	s3 =	sld [smem:$0x3FFE];
	_ =	sdelay $0x1  }
0x8a: {  	s1 =	srdreg.scid  }
0x8b: {  	s0 =	sand.u32 $0x1, s1  }
0x8c: {  	s17 =	sshll.u32 s0, $0xA;
	s2 =	sadd.s32 s3, s2  }
0x8d: {  	s2 =	sadd.s32 s2, s17  }
0x8e: {  	[smem:$0x3FC1] =	sst s2  }
0x8f: {  	_ = 	snop  }
0x90: {  	s2 =	sld [smem:$0x3FD0];
	(tm) =	ssettm $0x1  }
0x91: {  	s18 =	sld [smem:$0x3FFB];
	_ =	sdelay $0x3  }
0x92: {  	_ =	strace s18  }
0x93: {  	s3 =	sld [smem:$0x3FFC];
	_ =	sdelay $0x3  }
0x94: {  	_ =	strace s3  }
0x95: {  	s3 =	sld [smem:$0x3FFD];
	_ =	sdelay $0x3  }
0x96: {  	_ =	strace s3  }
0x97: {  	_ =	strace $0x8FFFFFFF  }
0x98: {  	s19 =	sld [smem:$0x3FDB];
	_ =	sdelay $0x1  }
0x99: {  	s4 =	simm.s32 $_scs_section_size  }
0x9a: {  	s5 =	simm.s32 $_size__tile_overlayer_lowered;
	s6 =	simm.s32 $_tile_overlayer_lowered  }
0x9b: {  	s22 =	simm.s32 $0x1BFF;
	s21 =	sshll.u32 s6, $0x1;
	s3 =	sadd.s32 s4, s19  }
0x9c: {  	s7 =	simm.s32 $0x0;
	s20 =	sshll.u32 s5, $0x1;
	s5 =	sadd.s32 s21, s3  }
0x9d: {  	[timem:s7], [sflag:s22] =	dma.local [hbm:s5], s20  }
0x9e: {  	_ =	swait.ge [sflag:s22], s20  }
0x9f: {  	s4 =	ssub.s32 $0x0, s20;
	[sflag:s22] =	ssyncset.done $0x0  }
0xa0: {  	[sflag:s22] =	ssyncadd.s32 s4;
	_ =	sdelay $0x1  }
0xa1: {  	s23 =	simm.s32 $0x1B8B  }
0xa2: {  	_ =	swait.ge [sflag:s23], $0x1  }
0xa3: {  	[sflag:s23] =	ssyncset.done $0x0  }
0xa4: {  	s25 =	simm.s32 $0x1B8E;
	s24 =	sld [smem:$0x3FFE];
	[sflag:s23] =	ssyncadd.s32 $0xFFFFFFFF  }
0xa5: {  	s26 =	simm.s32 $execute0_lowered;
	[smem:$0x3FD2] =	sst s25  }
0xa6: {  	s5 =	sshll.u32 s26, $0x1;
	_ =	strace $0x80000046;
	[dreg:$0x1] =	wrdreg $0xFFFFFFFF  }
0xa7: {  	s28 =	simm.s32 $_size_execute0_lowered;
	s3 =	sadd.s32 s3, s5;
	[dreg:$0x0] =	wrdreg $0x0  }
0xa8: {  	s5 =	sshll.u32 s28, $0x1;
	[dreg:$0x2] =	wrdreg s3  }
0xa9: {  	[dreg:$0x3] =	wrdreg s5  }
0xaa: {  	[dreg:$0x4] =	wrdreg $0xC0  }
0xab: {  	_ =	task [dreg:s7], $0x5FFFF  }
0xac: {  	[dreg:$0x1] =	wrdreg $0xFFFFFFFF  }
0xad: {  	[dreg:$0x0] =	wrdreg $0x60  }
0xae: {  	[dreg:$0x2] =	wrdreg s24  }
0xaf: {  	[dreg:$0x3] =	wrdreg s2  }
0xb0: {  	[dreg:$0x4] =	wrdreg $0x9  }
0xb1: {  	_ =	task.clear_ibuf [dreg:s7], $0x5FFFF;
	_ =	strace $0x90000046  }
0xb2: {  	s29 =	simm.s32 $0x9;
	_ =	strace $0x80000048  }
0xb3: {  	_ =	swait.ge [sflag:s29], $0x1  }
0xb4: {  	[sflag:s29] =	ssyncadd.s32 $0xFFFFFFFF  }
0xb5: {  	_ =	strace $0x90000048  }
0xb6: {  	_ =	sfence  }
0xb7: {  	s30 =	sld [smem:$0x0];
	_ =	sdelay $0x2  }
0xb8: {  	s31 =	sshll.u32 s1, $0xD;
	s1 =	sshrl.u32 s1, $0x2  }
0xb9: {  	s3 =	sand.u32 $0x4000, s31;
	s1 =	sadd.s32 s1, s30  }
0xba: {  	s0 =	sor.u32 s3, s0;
	s1 =	sshll.u32 s1, $0x11  }
0xbb: {  	s0 =	sor.u32 s1, s0  }
0xbc: {  	s0 =	sadd.s32 $0x8F2B, s0  }
0xbd: {  	[sflag:s0] =	ssyncadd.remote.s32 $0x1  }
0xbe: {  	_ =	sfence.sel $0xFFFF  }
0xbf: {  	[dreg:$0x0] =	wrdreg $0xFFFFFFFF;
	(pc) =	sbr.abs _section_cstart, $3  }
0xc0: {  	[dreg:$0x1] =	wrdreg $0xFFFFFFFF  }
0xc1: {  	_ =	task.clear_ibuf [dreg:s7], $0x2FFFF;
	_ =	strace $0x9FFFFFFF  }
0xc2: {  	(tm) =	ssettm $0x7FFFFFFF  }
0xc3: {  	_ =	shalt  }
tec
execute0_lowered:
.L_overlay_start_1:
0x0: {  	(tag) =	ssettag $0x1  }
0x1: {  	s1 =	srdreg.scid;
	s4 =	rddreg [dreg:$0x0]  }
0x2: {  	s0 =	stileid.u32;
	s9 =	rddreg [dreg:$0x1];
	s2 =	simm.s32 $0x0  }
0x3: {  	s12 =	simm.s32 $0xC00;
	s13 =	simm.s32 $0x1200;
	s14 =	simm.s32 $0x1800  }
0x4: {  	s15 =	simm.s32 $0x1E00;
	s3 =	sand.u32 $0x1, s1;
	s31 =	sshll.u32 s0, $0x1  }
0x5: {  	s16 =	simm.s32 $0x1;
	s17 =	simm.s32 $0x2400;
	s5 =	sor.u32 s3, s31  }
0x6: {  	s18 =	simm.s32 $0x2;
	s19 =	simm.s32 $0x0;
	s6 =	smul.u32 $0x600, s5  }
0x7: {  	[smem:$0x7FF] =	sst s2;
	s3 =	ssub.s32 $0x2, s3;
	s11 =	smul.u32 $0x300, s5  }
0x8: {  	s1 =	rddreg [dreg:$0x2];
	_ =	strace $0x80000047;
	s7 =	sshrl.u32 s3, $0x1  }
0x9: {  	v3 =	vlaneseq.u32;
	s10 =	ssub.s32 s3, s7;
	s6 =	sshrl.u32 s6, $0x3;
	s9 =	sadd.s32 s9, s11  }
0xa: {  	v0 =	vmul.u32 $0x3, v3;
	s10 =	smax.u32 s10, $0x1;
	s11 =	simm.s32 $0x600;
	s8 =	sadd.s32 s6, s4  }
0xb: {  	v4 =	vimm.s32 $0x0;
	s3 =	sadd.s32 $0x800, s8;
	s4 =	sadd.s32 $0x140800, s8;
	s6 =	sadd.s32 $0x143800, s8  }
0xc: {  	v3 =	vmul.u32 $0xC, v3;
	v1 =	vadd.s32 $0x1, v0;
	v2 =	vadd.s32 $0x2, v0;
	s5 =	sadd.s32 $0x142000, s8;
	s7 =	sadd.s32 $0x145000, s8;
	s8 =	sadd.s32 $0x146800, s8  }
.LBB2_1:
0xd: {  	[tilespmem:s2], [sflag:$0x1] =	stream.linear.gather [hbm4b:s3+s2], $0x600, $0x38;
	[tilespmem:$0x3C00] =	vst v63  }
0xe: {  	_ = 	snop  }
0xf: {  	[tilespmem:s11], [sflag:$0x1] =	stream.linear.gather [hbm4b:s4+s2], $0x600, $0x38;
	[tilespmem:$0x3C00] =	vst v63  }
0x10: {  	_ = 	snop  }
0x11: {  	[tilespmem:s12], [sflag:$0x1] =	stream.linear.gather [hbm4b:s5+s2], $0x600, $0x38;
	[tilespmem:$0x3C00] =	vst v63  }
0x12: {  	_ = 	snop  }
0x13: {  	[tilespmem:s13], [sflag:$0x1] =	stream.linear.gather [hbm4b:s6+s2], $0x600, $0x38;
	[tilespmem:$0x3C00] =	vst v63  }
0x14: {  	_ = 	snop  }
0x15: {  	[tilespmem:s14], [sflag:$0x1] =	stream.linear.gather [hbm4b:s7+s2], $0x600, $0x38;
	[tilespmem:$0x3C00] =	vst v63  }
0x16: {  	_ = 	snop  }
0x17: {  	[tilespmem:s15], [sflag:$0x1] =	stream.linear.gather [hbm4b:s8+s2], $0x600, $0x38;
	[tilespmem:$0x3C00] =	vst v63  }
0x18: {  	_ =	swait.ge [sflag:s16], $0x600  }
0x19: {  	[sflag:s16] =	ssyncset.done $0x0  }
0x1a: {  	[sflag:s16] =	ssyncadd.s32 $0xFFFFFA00  }
0x1b: {  	_ =	swait.ge [sflag:s16], $0x600  }
0x1c: {  	[sflag:s16] =	ssyncset.done $0x0  }
0x1d: {  	[sflag:s16] =	ssyncadd.s32 $0xFFFFFA00  }
0x1e: {  	_ =	swait.ge [sflag:s16], $0x600  }
0x1f: {  	[sflag:s16] =	ssyncset.done $0x0  }
0x20: {  	[sflag:s16] =	ssyncadd.s32 $0xFFFFFA00  }
0x21: {  	_ =	swait.ge [sflag:s16], $0x600  }
0x22: {  	[sflag:s16] =	ssyncset.done $0x0  }
0x23: {  	[sflag:s16] =	ssyncadd.s32 $0xFFFFFA00  }
0x24: {  	_ =	swait.ge [sflag:s16], $0x600  }
0x25: {  	v10 =	vadd.s32 s2, v2;
	[sflag:s16] =	ssyncset.done $0x0  }
0x26: {  	[sflag:s16] =	ssyncadd.s32 $0xFFFFFA00  }
0x27: {  	_ =	swait.ge [sflag:s16], $0x600  }
0x28: {  	[sflag:s16] =	ssyncset.done $0x0  }
0x29: {  	[sflag:s16] =	ssyncadd.s32 $0xFFFFFA00  }
0x2a: {  	v13 =	vadd.s32 s2, v1;
	v20 =	vld.idx.msk [tilespmem:v10+s2+$0x0], $0xffff  }
0x2b: {  	v8 =	vadd.s32 s2, v0;
	v17 =	vld.idx.msk [tilespmem:v10+s11+$0x0], $0xffff  }
0x2c: {  	v6 =	vld.idx.msk [tilespmem:v10+s13+$0x0], $0xffff  }
0x2d: {  	v5 =	vld.idx.msk [tilespmem:v10+s14+$0x0], $0xffff  }
0x2e: {  	v9 =	vld.idx.msk [tilespmem:v10+s12+$0x0], $0xffff  }
0x2f: {  	v18 =	vld.idx.msk [tilespmem:v13+s11+$0x0], $0xffff  }
0x30: {  	v16 =	vld.idx.msk [tilespmem:v8+s12+$0x0], $0xffff  }
0x31: {  	v12 =	vld.idx.msk [tilespmem:v8+s13+$0x0], $0xffff  }
0x32: {  	v15 =	vld.idx.msk [tilespmem:v13+s12+$0x0], $0xffff  }
0x33: {  	v11 =	vld.idx.msk [tilespmem:v13+s13+$0x0], $0xffff  }
0x34: {  	v19 =	vld.idx.msk [tilespmem:v8+s11+$0x0], $0xffff  }
0x35: {  	v21 =	vld.idx.msk [tilespmem:v8+s2+$0x0], $0xffff  }
0x36: {  	v22 =	vld.idx.msk [tilespmem:v13+s2+$0x0], $0xffff  }
0x37: {  	v7 =	vld.idx.msk [tilespmem:v8+s14+$0x0], $0xffff  }
0x38: {  	v8 =	vld.idx.msk [tilespmem:v8+s15+$0x0], $0xffff;
	v24 =	vmul.f32 v6, v20  }
0x39: {  	v14 =	vld.idx.msk [tilespmem:v13+s14+$0x0], $0xffff;
	v25 =	vmul.f32 v5, v20;
	v23 =	vmul.f32 v17, v20  }
0x3a: {  	v13 =	vld.idx.msk [tilespmem:v13+s15+$0x0], $0xffff;
	v26 =	vmul.f32 v9, v20;
	v27 =	vmul.f32 v16, v21  }
0x3b: {  	v10 =	vld.idx.msk [tilespmem:v10+s15+$0x0], $0xffff;
	v28 =	vmul.f32 v19, v21;
	v29 =	vmul.f32 v18, v22  }
0x3c: {  	v30 =	vmul.f32 v12, v21;
	v31 =	vmul.f32 v11, v22  }
0x3d: {  	v32 =	vmul.f32 v7, v21;
	v28 =	vadd.f32 v29, v28;
	v29 =	vmul.f32 v15, v22  }
0x3e: {  	v33 =	vmul.f32 v8, v21;
	v21 =	vadd.f32 v31, v30;
	v30 =	vmul.f32 v14, v22  }
0x3f: {  	v22 =	vmul.f32 v13, v22;
	v23 =	vadd.f32 v23, v28;
	v27 =	vadd.f32 v29, v27  }
0x40: {  	v28 =	vmul.f32 v10, v20;
	v21 =	vadd.f32 v24, v21;
	v29 =	vadd.f32 v30, v32  }
0x41: {  	v22 =	vadd.f32 v22, v33;
	v20 =	vadd.s32 s2, v3;
	v24 =	vadd.f32 v26, v27  }
0x42: {  	v27 =	vadd.f32 v25, v29;
	vm0 =	vgt.f32 v21, v23;
	vm3 =	vgt.f32 v23, v21  }
0x43: {  	v22 =	vadd.f32 v28, v22;
	vm5 =	veq.f32 v23, v21;
	v29 =	vsel vm0, $0x1, v4  }
0x44: {  	v32 =	vsel vm5, $0x1, v4;
	vm1 =	vgt.f32 v24, v23;
	vm0 =	vgt.f32 v27, v23  }
0x45: {  	vm2 =	veq.f32 v21, v27;
	vm4 =	veq.f32 v24, v27;
	vm8 =	vgt.f32 v23, v24  }
0x46: {  	vm9 =	veq.f32 v23, v24;
	vm10 =	vgt.f32 v21, v24;
	vm6 =	veq.f32 v24, v21  }
0x47: {  	vm7 =	veq.f32 v23, v22;
	vm11 =	vgt.f32 v27, v24;
	vm5 =	vgt.f32 v22, v27  }
0x48: {  	vm12 =	vgt.f32 v23, v27;
	v30 =	vsel vm1, $0x1, v4;
	v25 =	vsel vm0, $0x1, v4  }
0x49: {  	vm0 =	vgt.f32 v22, v23;
	vm1 =	vgt.f32 v22, v24;
	v28 =	vsel vm7, $0x1, v4  }
0x4a: {  	vm7 =	vgt.f32 v24, v21;
	v34 =	vsel vm10, $0x1, v4;
	v35 =	vsel vm11, $0x1, v4  }
0x4b: {  	v26 =	vsel vm0, $0x1, v4;
	vm0 =	vgt.f32 v24, v27;
	v31 =	vadd.s32 v30, v29  }
0x4c: {  	v33 =	vsel vm7, $0x1, v4;
	v29 =	vsel vm8, $0x1, v4;
	v30 =	vsel vm9, $0x1, v4  }
0x4d: {  	vm7 =	veq.f32 v23, v27;
	vm8 =	vgt.f32 v22, v21;
	v30 =	vadd.s32 v30, v29  }
0x4e: {  	v29 =	vsel vm8, $0x1, v4;
	v30 =	vadd.s32 v34, v30;
	v34 =	vsel vm3, $0x1, v4  }
0x4f: {  	s20 =	simm.s32 $0x30;
	s21 =	simm.s32 $0x0;
	vm3 =	vgt.f32 v27, v22;
	v30 =	vadd.s32 v35, v30;
	v35 =	vsel vm12, $0x1, v4  }
.LBB2_2:
0x50: {  	p0 =	sne.s32 s20, $0x5D0  }
0x51: {  	v36 =	vsel vm7, $0x1, v4;
	vm8 =	vgt.f32 v21, v27;
	vm7 =	veq.f32 v27, v22;
	s21 =	sadd.s32 $0xC0, s21;
	s22 =	smov.u32 s20;
	s20 =	sadd.s32 $0x30, s20  }
0x52: {  	v37 =	vsel vm6, $0x1, v4;
	vm6 =	vgt.f32 v27, v21;
	v27 =	vsel vm4, $0x1, v4  }
0x53: {  	v32 =	vadd.s32 v32, v34;
	v34 =	vadd.s32 v36, v35;
	v35 =	vsel vm8, $0x1, v4  }
0x54: {  	v32 =	vadd.s32 v33, v32;
	v33 =	vsel vm6, $0x1, v4;
	v36 =	vsel vm2, $0x1, v4  }
0x55: {  	vm4 =	veq.f32 v24, v22;
	v32 =	vadd.s32 v37, v32;
	v37 =	vsel vm5, $0x1, v4  }
0x56: {  	v25 =	vadd.s32 v25, v31;
	vm6 =	vgt.f32 v21, v22;
	vm5 =	vgt.f32 v24, v22  }
0x57: {  	vm2 =	vgt.f32 v23, v22;
	v24 =	vadd.s32 v26, v25;
	v25 =	vadd.s32 v33, v32  }
0x58: {  	v31 =	vsel vm3, $0x1, v4;
	v26 =	vsel vm2, $0x1, v4;
	v23 =	vmul.u32 $0x3, v24  }
0x59: {  	vm2 =	vlt.u32 v24, $0x4;
	v24 =	vadd.s32 v28, v26;
	v26 =	vsel vm4, $0x1, v4  }
0x5a: {  	v28 =	vsel vm5, $0x1, v4;
	v32 =	vsel vm6, $0x1, v4;
	v23 =	vadd.s32 v20, v23  }
0x5b: {  	vm3 =	veq.f32 v21, v22;
	v24 =	vadd.s32 v28, v24;
	v33 =	vadd.s32 $0x1, v23  }
0x5c: {  	v22 =	vsel vm1, $0x1, v4;
	v24 =	vadd.s32 v26, v24;
	v21 =	vadd.s32 $0x2, v23  }
0x5d: {  	v22 =	vadd.s32 v22, v30;
	v25 =	vadd.s32 v29, v25;
	v26 =	vsel vm3, $0x1, v4  }
0x5e: {  	v28 =	vmul.u32 $0x3, v22;
	v29 =	vmul.u32 $0x3, v25;
	v24 =	vadd.s32 v32, v24  }
0x5f: {  	vm1 =	vlt.u32 v22, $0x4;
	v22 =	vadd.s32 v26, v24;
	[tilespmem:v23+s17+$0x0] =	vst.idx.msk vm2, v19;
	v19 =	vsel vm0, $0x1, v4  }
0x60: {  	v23 =	vsel vm7, $0x1, v4;
	[tilespmem:v33+s17+$0x0] =	vst.idx.msk vm2, v18;
	v18 =	vadd.s32 v20, v28;
	v19 =	vadd.s32 v19, v34  }
0x61: {  	[tilespmem:v21+s17+$0x0] =	vst.idx.msk vm2, v17;
	v17 =	vadd.s32 $0x1, v18;
	v19 =	vadd.s32 v27, v19;
	v21 =	vadd.s32 v31, v22  }
0x62: {  	vm0 =	vlt.u32 v25, $0x4;
	v22 =	vadd.s32 $0x2, v18;
	v19 =	vadd.s32 v35, v19  }
0x63: {  	v24 =	vadd.s32 v20, v29;
	v21 =	vadd.s32 v23, v21;
	v19 =	vadd.s32 v36, v19  }
0x64: {  	v23 =	vadd.s32 $0x1, v24;
	v25 =	vmul.u32 $0x3, v21;
	v19 =	vadd.s32 v37, v19  }
0x65: {  	[tilespmem:v18+s17+$0x0] =	vst.idx.msk vm1, v16;
	v16 =	vadd.s32 $0x2, v24;
	vm2 =	vlt.u32 v19, $0x4;
	v18 =	vmul.u32 $0x3, v19  }
0x66: {  	[tilespmem:v17+s17+$0x0] =	vst.idx.msk vm1, v15  }
0x67: {  	[tilespmem:v22+s17+$0x0] =	vst.idx.msk vm1, v9;
	v9 =	vadd.s32 v20, v18  }
0x68: {  	[tilespmem:v24+s17+$0x0] =	vst.idx.msk vm0, v12;
	v12 =	vadd.s32 $0x1, v9;
	v15 =	vadd.s32 $0x2, v9  }
0x69: {  	vm1 =	vlt.u32 v21, $0x4;
	[tilespmem:v23+s17+$0x0] =	vst.idx.msk vm0, v11  }
0x6a: {  	v21 =	vadd.s32 s22, v2;
	[tilespmem:v16+s17+$0x0] =	vst.idx.msk vm0, v6;
	v6 =	vadd.s32 v20, v25  }
0x6b: {  	v11 =	vadd.s32 $0x1, v6  }
0x6c: {  	[tilespmem:v9+s17+$0x0] =	vst.idx.msk vm2, v7;
	v7 =	vadd.s32 $0x2, v6  }
0x6d: {  	[tilespmem:v12+s17+$0x0] =	vst.idx.msk vm2, v14  }
0x6e: {  	[tilespmem:v15+s17+$0x0] =	vst.idx.msk vm2, v5  }
0x6f: {  	v20 =	vadd.s32 s22, v1;
	v14 =	vadd.s32 s22, v0;
	[tilespmem:v6+s17+$0x0] =	vst.idx.msk vm1, v8  }
0x70: {  	[tilespmem:v11+s17+$0x0] =	vst.idx.msk vm1, v13  }
0x71: {  	[tilespmem:v7+s17+$0x0] =	vst.idx.msk vm1, v10  }
0x72: {  	v22 =	vld.idx.msk [tilespmem:v21+s2+$0x0], $0xffff  }
0x73: {  	v17 =	vld.idx.msk [tilespmem:v21+s11+$0x0], $0xffff  }
0x74: {  	v6 =	vld.idx.msk [tilespmem:v21+s13+$0x0], $0xffff  }
0x75: {  	v5 =	vld.idx.msk [tilespmem:v21+s14+$0x0], $0xffff  }
0x76: {  	v9 =	vld.idx.msk [tilespmem:v21+s12+$0x0], $0xffff  }
0x77: {  	v18 =	vld.idx.msk [tilespmem:v20+s11+$0x0], $0xffff  }
0x78: {  	v16 =	vld.idx.msk [tilespmem:v14+s12+$0x0], $0xffff  }
0x79: {  	v12 =	vld.idx.msk [tilespmem:v14+s13+$0x0], $0xffff  }
0x7a: {  	v15 =	vld.idx.msk [tilespmem:v20+s12+$0x0], $0xffff  }
0x7b: {  	v11 =	vld.idx.msk [tilespmem:v20+s13+$0x0], $0xffff  }
0x7c: {  	v7 =	vld.idx.msk [tilespmem:v14+s14+$0x0], $0xffff  }
0x7d: {  	v19 =	vld.idx.msk [tilespmem:v14+s11+$0x0], $0xffff  }
0x7e: {  	v23 =	vld.idx.msk [tilespmem:v14+s2+$0x0], $0xffff  }
0x7f: {  	v25 =	vmul.f32 v6, v22;
	v26 =	vmul.f32 v5, v22;
	v24 =	vld.idx.msk [tilespmem:v20+s2+$0x0], $0xffff  }
0x80: {  	v27 =	vmul.f32 v17, v22;
	v28 =	vmul.f32 v9, v22;
	v8 =	vld.idx.msk [tilespmem:v14+s15+$0x0], $0xffff  }
0x81: {  	v14 =	vld.idx.msk [tilespmem:v20+s14+$0x0], $0xffff  }
0x82: {  	v10 =	vld.idx.msk [tilespmem:v21+s15+$0x0], $0xffff  }
0x83: {  	v13 =	vld.idx.msk [tilespmem:v20+s15+$0x0], $0xffff  }
0x84: {  	v20 =	vmul.f32 v16, v23;
	v29 =	vmul.f32 v7, v23  }
0x85: {  	v21 =	vmul.f32 v19, v23;
	v30 =	vmul.f32 v18, v24  }
0x86: {  	v31 =	vmul.f32 v12, v23;
	v32 =	vmul.f32 v11, v24  }
0x87: {  	v33 =	vmul.f32 v8, v23;
	v21 =	vadd.f32 v30, v21;
	v30 =	vmul.f32 v15, v24  }
0x88: {  	v31 =	vadd.f32 v32, v31;
	v32 =	vmul.f32 v14, v24;
	v22 =	vmul.f32 v10, v22  }
0x89: {  	v23 =	vadd.f32 v27, v21;
	v20 =	vadd.f32 v30, v20;
	v27 =	vmul.f32 v13, v24  }
0x8a: {  	v21 =	vadd.f32 v25, v31;
	v25 =	vadd.f32 v32, v29  }
0x8b: {  	v24 =	vadd.f32 v28, v20;
	v28 =	vadd.f32 v27, v33;
	v20 =	vadd.s32 s21, v3  }
0x8c: {  	v27 =	vadd.f32 v26, v25;
	vm0 =	vgt.f32 v21, v23;
	vm3 =	vgt.f32 v23, v21  }
0x8d: {  	v29 =	vsel vm0, $0x1, v4;
	v22 =	vadd.f32 v22, v28;
	vm1 =	vgt.f32 v24, v23  }
0x8e: {  	vm0 =	vgt.f32 v27, v23;
	vm2 =	veq.f32 v21, v27;
	v30 =	vsel vm1, $0x1, v4  }
0x8f: {  	vm4 =	veq.f32 v24, v27;
	v25 =	vsel vm0, $0x1, v4;
	vm0 =	vgt.f32 v22, v23  }
0x90: {  	vm8 =	vgt.f32 v23, v24;
	vm9 =	veq.f32 v23, v24;
	v26 =	vsel vm0, $0x1, v4  }
0x91: {  	vm5 =	veq.f32 v23, v21;
	vm10 =	vgt.f32 v21, v24;
	vm0 =	vgt.f32 v24, v27  }
0x92: {  	vm6 =	veq.f32 v24, v21;
	vm1 =	vgt.f32 v22, v24;
	vm7 =	veq.f32 v23, v22  }
0x93: {  	v32 =	vsel vm5, $0x1, v4;
	vm11 =	vgt.f32 v27, v24;
	v28 =	vsel vm7, $0x1, v4  }
0x94: {  	v31 =	vadd.s32 v30, v29;
	vm5 =	vgt.f32 v22, v27;
	vm7 =	vgt.f32 v24, v21  }
.Ltmp0:
0x95: {  	vm12 =	vgt.f32 v23, v27;
	v33 =	vsel vm7, $0x1, v4;
	vm7 =	veq.f32 v23, v27;
	(pc) =	sbr.rel @p0 .LBB2_2-.Ltmp0, $4  }
0x96: {  	v29 =	vsel vm8, $0x1, v4;
	v30 =	vsel vm9, $0x1, v4;
	vm8 =	vgt.f32 v22, v21  }
0x97: {  	v34 =	vsel vm10, $0x1, v4;
	v30 =	vadd.s32 v30, v29;
	v29 =	vsel vm8, $0x1, v4  }
0x98: {  	v35 =	vsel vm11, $0x1, v4;
	v30 =	vadd.s32 v34, v30;
	v34 =	vsel vm3, $0x1, v4  }
0x99: {  	vm3 =	vgt.f32 v27, v22;
	v30 =	vadd.s32 v35, v30;
	v35 =	vsel vm12, $0x1, v4  }
0x9a: {  	v36 =	vsel vm7, $0x1, v4  }
0x9b: {  	vm8 =	vgt.f32 v21, v27;
	vm7 =	veq.f32 v27, v22;
	v37 =	vsel vm6, $0x1, v4  }
0x9c: {  	vm12 =	vgt.f32 v27, v21;
	v53 =	vsel vm4, $0x1, v4;
	v32 =	vadd.s32 v32, v34  }
0x9d: {  	v57 =	vsel vm2, $0x1, v4;
	v58 =	vsel vm5, $0x1, v4;
	vm13 =	veq.f32 v24, v22  }
0x9e: {  	v25 =	vadd.s32 v25, v31;
	vm14 =	vgt.f32 v24, v22;
	vm15 =	vgt.f32 v23, v22  }
0x9f: {  	vm9 =	vgt.f32 v21, v22;
	vm11 =	veq.f32 v21, v22;
	v43 =	vsel vm1, $0x1, v4  }
0xa0: {  	v47 =	vsel vm0, $0x1, v4;
	v52 =	vsel vm3, $0x1, v4;
	v54 =	vadd.s32 v36, v35  }
0xa1: {  	v55 =	vsel vm8, $0x1, v4;
	v32 =	vadd.s32 v33, v32;
	v56 =	vsel vm12, $0x1, v4  }
0xa2: {  	v59 =	vadd.s32 v26, v25;
	v61 =	vsel vm15, $0x1, v4;
	v38 =	vsel vm13, $0x1, v4  }
0xa3: {  	v39 =	vsel vm14, $0x1, v4;
	v40 =	vsel vm9, $0x1, v4;
	v22 =	vadd.s32 v43, v30  }
0xa4: {  	v45 =	vsel vm11, $0x1, v4;
	v32 =	vadd.s32 v37, v32;
	v60 =	vmul.u32 $0x3, v59  }
0xa5: {  	vm10 =	vlt.u32 v59, $0x4;
	v63 =	vadd.s32 v28, v61;
	v46 =	vmul.u32 $0x3, v22  }
0xa6: {  	vm12 =	vlt.u32 v22, $0x4;
	v49 =	vadd.s32 v47, v54;
	v23 =	vadd.s32 v20, v60  }
0xa7: {  	v62 =	vadd.s32 v56, v32;
	v24 =	vadd.s32 v39, v63;
	v41 =	vadd.s32 $0x1, v23  }
0xa8: {  	v22 =	vadd.s32 v53, v49;
	v24 =	vadd.s32 v38, v24;
	v42 =	vadd.s32 $0x2, v23  }
0xa9: {  	v44 =	vadd.s32 v29, v62;
	v28 =	vadd.s32 v20, v46;
	v22 =	vadd.s32 v55, v22  }
0xaa: {  	v48 =	vmul.u32 $0x3, v44;
	v24 =	vadd.s32 v40, v24;
	v50 =	vadd.s32 $0x1, v28  }
0xab: {  	v51 =	vadd.s32 $0x2, v28;
	vm13 =	vlt.u32 v44, $0x4;
	v22 =	vadd.s32 v57, v22;
	[tilespmem:v23+s17+$0x0] =	vst.idx.msk vm10, v19  }
0xac: {  	v54 =	vsel vm7, $0x1, v4;
	v22 =	vadd.s32 v58, v22;
	v53 =	vadd.s32 v20, v48;
	[tilespmem:v41+s17+$0x0] =	vst.idx.msk vm10, v18  }
0xad: {  	v24 =	vadd.s32 v45, v24;
	v56 =	vmul.u32 $0x3, v22;
	v55 =	vadd.s32 $0x1, v53;
	[tilespmem:v42+s17+$0x0] =	vst.idx.msk vm10, v17  }
0xae: {  	vm14 =	vlt.u32 v22, $0x4;
	v57 =	vadd.s32 $0x2, v53;
	v23 =	vadd.s32 v52, v24;
	[tilespmem:v28+s17+$0x0] =	vst.idx.msk vm12, v16  }
0xaf: {  	v59 =	vadd.s32 v20, v56;
	v58 =	vadd.s32 v54, v23;
	[tilespmem:v50+s17+$0x0] =	vst.idx.msk vm12, v15  }
0xb0: {  	v61 =	vadd.s32 $0x1, v59;
	v60 =	vmul.u32 $0x3, v58;
	[tilespmem:v51+s17+$0x0] =	vst.idx.msk vm12, v9  }
0xb1: {  	v62 =	vadd.s32 $0x2, v59;
	vm15 =	vlt.u32 v58, $0x4;
	[tilespmem:v53+s17+$0x0] =	vst.idx.msk vm13, v12  }
0xb2: {  	v63 =	vadd.s32 v20, v60;
	[tilespmem:v55+s17+$0x0] =	vst.idx.msk vm13, v11  }
0xb3: {  	[tilespmem:v57+s17+$0x0] =	vst.idx.msk vm13, v6;
	v6 =	vadd.s32 $0x1, v63  }
0xb4: {  	[tilespmem:v59+s17+$0x0] =	vst.idx.msk vm14, v7;
	v7 =	vadd.s32 $0x2, v63  }
0xb5: {  	[tilespmem:v61+s17+$0x0] =	vst.idx.msk vm14, v14  }
0xb6: {  	[tilespmem:v62+s17+$0x0] =	vst.idx.msk vm14, v5  }
0xb7: {  	s19 =	sadd.s32 $0x1, s19;
	[tilespmem:v63+s17+$0x0] =	vst.idx.msk vm15, v8  }
0xb8: {  	p0 =	sne.s32 s19, s10;
	[tilespmem:v6+s17+$0x0] =	vst.idx.msk vm15, v13  }
.Ltmp1:
0xb9: {  	[tilespmem:v7+s17+$0x0] =	vst.idx.msk vm15, v10;
	(pc) =	sbr.rel @p0 .LBB2_1-.Ltmp1, $4  }
0xba: {  	[hbm4b:s9+s2] =	stream.linear.scatter [tilespmem:s17], [sflag:$0x2], $0x1800, $0x38;
	[tilespmem:$0x3C00] =	vst v63  }
0xbb: {  	_ =	swait.ge [sflag:s18], $0x1800  }
0xbc: {  	[sflag:s18] =	ssyncset.done $0x0  }
0xbd: {  	[sflag:s18] =	ssyncadd.s32 $0xFFFFE800  }
0xbe: {  	_ =	sfence.sel $0x180000  }
0xbf: {  	[bflag:$0x0] =	sbarrier.arrive $0xFFFF  }
0xc0: {  	p0 =	sne.s32 s0, $0x0;
	_ =	strace $0x90000047  }
0xc1: {  	s0 =	sadd.s32 @!p0 $0x100000, s1;
	[bflag:$0x2] =	sbarrier.arrive $0xFFFF  }
0xc2: {  	[sflag:s0] =	ssyncadd.tile.s32 @!p0 $0x1;
	_ =	shalt  }
.Lfunc_end2:
_tile_overlayer_lowered:
.L_overlay_start_2:
0xc3: {  	(tag) =	ssettag $0x2  }
0xc4: {  	s0 =	rddreg [dreg:$0x0];
	s2 =	stileid.u32  }
0xc5: {  	s1 =	rddreg [dreg:$0x1];
	p0 =	sne.s32 s2, $0x0  }
0xc6: {  	s3 =	rddreg [dreg:$0x2];
	[bflag:$0x3] =	sbarrier.arrive $0xFFFF;
	s2 =	simm.s32 @!p0 $0x1C02  }
0xc7: {  	[timem:s3], [sflag:s2] =	dma.local @!p0 [hbm:s0], s1  }
0xc8: {  	s0 =	simm.s32 @!p0 $0x2  }
0xc9: {  	_ =	swait.ge @!p0 [sflag:s0], s1  }
0xca: {  	s1 =	ssub.s32 @!p0 $0x0, s1;
	[sflag:s0] =	ssyncset.done @!p0 $0x0  }
0xcb: {  	[sflag:s0] =	ssyncadd.s32 @!p0 s1  }
0xcc: {  	[bflag:$0x3] =	sbarrier.arrive $0xFFFF  }
0xcd: {  	_ =	shalt  }

</sc_bundles>
